<compile_context>
chip_gen: v7x
topology: tpu7x:2x2x1
jax: 0.10.2.dev20260603
libtpu: 0.0.44.dev20260713+nightly
codegen_flags: <defaults>
</compile_context>

<pallas_src>
import functools

import jax
import jax.numpy as jnp
from jax import lax
from jax.experimental import pallas as pl
from jax.experimental.pallas import tpu as pltpu
from jax.experimental.pallas import tpu_sc as plsc

EPS = 1e-5

NC = 2
NS = 16
CHUNK = 128
NBUF = 3
ZCH = 80


def _matmul_body(x_ref, w_ref, h_ref):
    h_ref[...] = jnp.dot(x_ref[...], w_ref[...],
                         preferred_element_type=jnp.float32
                         ).astype(jnp.bfloat16)


def _matmul(x, W, block_rows):
    n, d = x.shape
    return pl.pallas_call(
        _matmul_body,
        grid=(n // block_rows,),
        in_specs=[
            pl.BlockSpec((block_rows, d), lambda i: (i, 0)),
            pl.BlockSpec((d, d), lambda i: (0, 0)),
        ],
        out_specs=pl.BlockSpec((block_rows, d), lambda i: (i, 0)),
        out_shape=jax.ShapeDtypeStruct((n, d), jnp.bfloat16),
    )(x, W)


def _make_sc_agg(n, d, e):
    per_w = e // (NC * NS)
    chunks = per_w // CHUNK
    tailn = per_w - chunks * CHUNK
    assert tailn % 8 == 0 and chunks % NBUF == 0
    nzch = n // ZCH
    max_per_tile = (nzch + NS - 1) // NS

    mesh = plsc.VectorSubcoreMesh(core_axis_name="c", subcore_axis_name="s")

    @functools.partial(
        pl.kernel,
        mesh=mesh,
        out_type=jax.ShapeDtypeStruct((NC, n, d), jnp.bfloat16),
        compiler_params=pltpu.CompilerParams(use_tc_tiling_on_sc=False),
        scratch_types=[
            [pltpu.VMEM((CHUNK,), jnp.int32) for _ in range(NBUF)],
            [pltpu.VMEM((CHUNK,), jnp.int32) for _ in range(NBUF)],
            [pltpu.VMEM((max(tailn, 1),), jnp.int32) for _ in range(2)],
            [pltpu.VMEM((CHUNK, d), jnp.bfloat16) for _ in range(NBUF)],
            pltpu.VMEM_SHARED((n, d), jnp.bfloat16),
            [pltpu.SemaphoreType.DMA for _ in range(NBUF)],
            [pltpu.SemaphoreType.DMA for _ in range(NBUF)],
            pltpu.SemaphoreType.DMA,
        ],
    )
    def sc_agg(h_hbm, eidx_hbm, zero_hbm, out_hbm,
               sidx, didx, tidx, rows, acc, isems, gsems, ssem):
        cid = lax.axis_index("c")
        sid = lax.axis_index("s")
        wid = cid * NS + sid
        base = wid * per_w

        def fetch_idx(c, b):
            pltpu.async_copy(
                eidx_hbm.at[0, pl.ds(base + c * CHUNK, CHUNK)], sidx[b],
                isems[b])
            pltpu.async_copy(
                eidx_hbm.at[1, pl.ds(base + c * CHUNK, CHUNK)], didx[b],
                isems[b])

        def wait_idx(c, b):
            pltpu.make_async_copy(
                eidx_hbm.at[0, pl.ds(base + c * CHUNK, CHUNK)], sidx[b],
                isems[b]).wait()
            pltpu.make_async_copy(
                eidx_hbm.at[1, pl.ds(base + c * CHUNK, CHUNK)], didx[b],
                isems[b]).wait()

        for b in range(NBUF):
            fetch_idx(b, b)
        for t in range(max_per_tile):
            c = sid + t * NS

            @pl.when(c < nzch)
            def _(c=c):
                pltpu.async_copy(zero_hbm, acc.at[pl.ds(c * ZCH, ZCH)],
                                 ssem)

        for t in range(max_per_tile):
            c = sid + t * NS

            @pl.when(c < nzch)
            def _(c=c):
                pltpu.make_async_copy(
                    zero_hbm, acc.at[pl.ds(c * ZCH, ZCH)], ssem).wait()

        plsc.subcore_barrier()

        def group_body(t, carry):
            c0 = t * NBUF
            descs = []
            for b in range(NBUF):
                wait_idx(c0 + b, b)
                descs.append(pltpu.async_copy(
                    h_hbm.at[sidx[b]], rows[b], gsems[b]))
            sdescs = []
            for b in range(NBUF):
                descs[b].wait()
                sdescs.append(pltpu.async_copy(
                    rows[b], acc.at[didx[b]], ssem, add=True))
            for b in range(NBUF):
                sdescs[b].wait()
                cn = c0 + NBUF + b

                @pl.when(cn < chunks)
                def _(cn=cn, b=b):
                    fetch_idx(cn, b)

            return carry

        lax.fori_loop(0, chunks // NBUF, group_body, 0)
        if tailn:
            toff = base + chunks * CHUNK
            pltpu.async_copy(eidx_hbm.at[0, pl.ds(toff, tailn)], tidx[0],
                             isems[0])
            pltpu.async_copy(eidx_hbm.at[1, pl.ds(toff, tailn)], tidx[1],
                             isems[0])
            pltpu.make_async_copy(eidx_hbm.at[0, pl.ds(toff, tailn)], tidx[0],
                                  isems[0]).wait()
            pltpu.make_async_copy(eidx_hbm.at[1, pl.ds(toff, tailn)], tidx[1],
                                  isems[0]).wait()
            trows = rows[0].at[pl.ds(0, tailn)]
            pltpu.async_copy(h_hbm.at[tidx[0]], trows, gsems[0]).wait()
            pltpu.sync_copy(trows, acc.at[tidx[1]], add=True)
        plsc.subcore_barrier()

        for t in range(max_per_tile):
            c = sid + t * NS

            @pl.when(c < nzch)
            def _(c=c):
                pltpu.async_copy(acc.at[pl.ds(c * ZCH, ZCH)],
                                 out_hbm.at[cid, pl.ds(c * ZCH, ZCH)],
                                 ssem)

        for t in range(max_per_tile):
            c = sid + t * NS

            @pl.when(c < nzch)
            def _(c=c):
                pltpu.make_async_copy(
                    acc.at[pl.ds(c * ZCH, ZCH)],
                    out_hbm.at[cid, pl.ds(c * ZCH, ZCH)], ssem).wait()

    return sc_agg


def _bn_body(n_rows, p0_ref, p1_ref, b_ref, gamma_ref, beta_ref, out_ref,
             agg_buf, stat_buf):
    k = pl.program_id(0)
    i = pl.program_id(1)

    @pl.when(k == 0)
    def _():
        agg = (p0_ref[0].astype(jnp.float32) +
               p1_ref[0].astype(jnp.float32) + b_ref[...])
        agg_buf[i] = agg

        @pl.when(i == 0)
        def _():
            stat_buf[...] = jnp.zeros_like(stat_buf)

        stat_buf[0, :] += jnp.sum(agg, axis=0)
        stat_buf[1, :] += jnp.sum(agg * agg, axis=0)

    @pl.when(k == 1)
    def _():
        mean = stat_buf[0:1, :] * (1.0 / n_rows)
        ex2 = stat_buf[1:2, :] * (1.0 / n_rows)
        var = ex2 - mean * mean
        scale = jax.lax.rsqrt(var + EPS) * gamma_ref[...]
        out_ref[...] = (agg_buf[i] - mean) * scale + beta_ref[...]


def kernel(x, edge_index, W, b, gamma, beta):
    n, d = x.shape
    e = edge_index.shape[1]
    block_rows = 1000

    h = _matmul(x, W, block_rows)

    zeros = jnp.zeros((ZCH, d), jnp.bfloat16)
    partial = _make_sc_agg(n, d, e)(h, edge_index, zeros)

    nblocks = n // block_rows
    b2 = b.reshape(1, d)
    out = pl.pallas_call(
        functools.partial(_bn_body, float(n)),
        grid=(2, nblocks),
        in_specs=[
            pl.BlockSpec((1, block_rows, d),
                         lambda k, i: (0, jnp.where(k == 0, i, 0), 0)),
            pl.BlockSpec((1, block_rows, d),
                         lambda k, i: (1, jnp.where(k == 0, i, 0), 0)),
            pl.BlockSpec((1, d), lambda k, i: (0, 0)),
            pl.BlockSpec((1, d), lambda k, i: (0, 0)),
            pl.BlockSpec((1, d), lambda k, i: (0, 0)),
        ],
        out_specs=pl.BlockSpec((block_rows, d),
                               lambda k, i: (jnp.where(k == 0, 0, i), 0)),
        out_shape=jax.ShapeDtypeStruct((n, d), jnp.float32),
        scratch_shapes=[
            pltpu.VMEM((nblocks, block_rows, d), jnp.float32),
            pltpu.VMEM((8, d), jnp.float32),
        ],
    )(partial, partial, b2, gamma.reshape(1, d), beta.reshape(1, d))

    return out

# --- scband reference (transcript-rebuilt; emitter-appended) ---
"""Pipeline reference for scband-gcnlayer-pyg-40785009443358 (READ-ONLY COPY).

The authoritative reference and input builder live on the scoring server;
editing this copy changes nothing except your own understanding.
"""

import jax, jax.numpy as jnp
import numpy as np

N = 10000
E = 320000
D = 128
EPS = 1e-5

def setup_inputs(seed: int = 0) -> dict:
    key = jax.random.key(seed)
    k1, k2, k3 = jax.random.split(key, 3)
    x = jax.random.normal(k1, (N, D), dtype=jnp.float32)
    edge_index = jax.random.randint(k2, (2, E), 0, N, dtype=jnp.int32)
    # GCNConv linear weight (no bias in lin), glorot-style scale
    W = jax.random.normal(k3, (D, D), dtype=jnp.float32) * (1.0 / np.sqrt(D))
    b = jnp.zeros((D,), dtype=jnp.float32)          # GCNConv bias
    gamma = jnp.ones((D,), dtype=jnp.float32)       # BatchNorm1d weight
    beta = jnp.zeros((D,), dtype=jnp.float32)       # BatchNorm1d bias
    return {"x": x, "edge_index": edge_index, "W": W, "b": b, "gamma": gamma, "beta": beta}

def reference(x, edge_index, W, b, gamma, beta):
    # GCNConv with normalize=False: add_self_loops resolves to False,
    # edge_weight=None -> unit weights, sum aggregation src->dst.
    h = x @ W
    src = edge_index[0]
    dst = edge_index[1]
    msgs = jnp.take(h, src, axis=0)                 # gather source features
    agg = jax.ops.segment_sum(msgs, dst, num_segments=x.shape[0])  # scatter-add to dst
    out = agg + b
    # residual=False, dropout p=0.0 -> identity
    # BatchNorm1d (training mode: batch statistics, biased variance)
    mean = jnp.mean(out, axis=0)
    var = jnp.mean((out - mean) ** 2, axis=0)
    out = (out - mean) / jnp.sqrt(var + EPS) * gamma + beta
    return out

if __name__ == "__main__":
    import jax
    _d = setup_inputs()
    print(jax.jit(kernel)(*tuple(_d.values())))

</pallas_src>

<mosaic_0001>
#map = affine_map<(d0, d1) -> (0, 0)>
#map1 = affine_map<(d0, d1) -> (0, 0, 0)>
module attributes {stable_mosaic.version = 14 : i64} {
  func.func @sc_agg(%arg0: i32, %arg1: i32, %arg2: memref<10000x128xbf16, #tpu.memory_space<hbm>>, %arg3: memref<2x320000xi32, #tpu.memory_space<hbm>>, %arg4: memref<80x128xbf16, #tpu.memory_space<hbm>>, %arg5: memref<2x10000x128xbf16, #tpu.memory_space<hbm>>, %arg6: memref<128xi32, #tpu.memory_space<vmem>>, %arg7: memref<128xi32, #tpu.memory_space<vmem>>, %arg8: memref<128xi32, #tpu.memory_space<vmem>>, %arg9: memref<128xi32, #tpu.memory_space<vmem>>, %arg10: memref<128xi32, #tpu.memory_space<vmem>>, %arg11: memref<128xi32, #tpu.memory_space<vmem>>, %arg12: memref<16xi32, #tpu.memory_space<vmem>>, %arg13: memref<16xi32, #tpu.memory_space<vmem>>, %arg14: memref<128x128xbf16, #tpu.memory_space<vmem>>, %arg15: memref<128x128xbf16, #tpu.memory_space<vmem>>, %arg16: memref<128x128xbf16, #tpu.memory_space<vmem>>, %arg17: memref<10000x128xbf16, #tpu.memory_space<vmem_shared>>, %arg18: memref<!tpu.dma_semaphore, #tpu.memory_space<semaphore_mem>>, %arg19: memref<!tpu.dma_semaphore, #tpu.memory_space<semaphore_mem>>, %arg20: memref<!tpu.dma_semaphore, #tpu.memory_space<semaphore_mem>>, %arg21: memref<!tpu.dma_semaphore, #tpu.memory_space<semaphore_mem>>, %arg22: memref<!tpu.dma_semaphore, #tpu.memory_space<semaphore_mem>>, %arg23: memref<!tpu.dma_semaphore, #tpu.memory_space<semaphore_mem>>, %arg24: memref<!tpu.dma_semaphore, #tpu.memory_space<semaphore_mem>>) attributes {dimension_semantics = [#tpu.dimension_semantics<core_parallel>, #tpu.dimension_semantics<subcore_parallel>], iteration_bounds = array<i64: 2, 16>, scalar_prefetch = 0 : i64, scratch_operands = 19 : i64, tpu.core_type = #tpu.core_type<sc_vector_subcore>, window_params = [{transform_indices = #map}, {transform_indices = #map}, {transform_indices = #map}, {transform_indices = #map1}]} {
    %mul3A = arith.constant 16 : i32
    %mul3A_0 = arith.muli %arg0, %mul3A : i32
    %add3A = arith.addi %mul3A_0, %arg1 : i32
    %mul3A_1 = arith.constant 10000 : i32
    %mul3A_2 = arith.muli %add3A, %mul3A_1 : i32
    %add3A_3 = arith.constant 0 : i32
    %add3A_4 = arith.addi %mul3A_2, %add3A_3 : i32
    %dma_start3A = arith.constant 0 : i32
    %dma_start3A_5 = tpu.memref_slice %arg3[%dma_start3A, %add3A_4] : memref<2x320000xi32, #tpu.memory_space<hbm>> -> memref<1x128xi32, #tpu.memory_space<hbm>>
    %dma_start3A_6 = tpu.memref_squeeze %dma_start3A_5 : memref<1x128xi32, #tpu.memory_space<hbm>> -> memref<128xi32, #tpu.memory_space<hbm>>
    %dma_start3A_7 = tpu.memref_slice %arg3[%dma_start3A, %add3A_4] : memref<2x320000xi32, #tpu.memory_space<hbm>> -> memref<1x128xi32, #tpu.memory_space<hbm>>
    %dma_start3A_8 = tpu.memref_squeeze %dma_start3A_7 : memref<1x128xi32, #tpu.memory_space<hbm>> -> memref<128xi32, #tpu.memory_space<hbm>>
    tpu.enqueue_dma source(%dma_start3A_8 : memref<128xi32, #tpu.memory_space<hbm>>) target(%arg6 : memref<128xi32, #tpu.memory_space<vmem>>) target_semaphore(%arg18 : memref<!tpu.dma_semaphore, #tpu.memory_space<semaphore_mem>>)
    %add3A_9 = arith.constant 0 : i32
    %add3A_10 = arith.addi %mul3A_2, %add3A_9 : i32
    %dma_start3A_11 = arith.constant 1 : i32
    %dma_start3A_12 = tpu.memref_slice %arg3[%dma_start3A_11, %add3A_10] : memref<2x320000xi32, #tpu.memory_space<hbm>> -> memref<1x128xi32, #tpu.memory_space<hbm>>
    %dma_start3A_13 = tpu.memref_squeeze %dma_start3A_12 : memref<1x128xi32, #tpu.memory_space<hbm>> -> memref<128xi32, #tpu.memory_space<hbm>>
    %dma_start3A_14 = tpu.memref_slice %arg3[%dma_start3A_11, %add3A_10] : memref<2x320000xi32, #tpu.memory_space<hbm>> -> memref<1x128xi32, #tpu.memory_space<hbm>>
    %dma_start3A_15 = tpu.memref_squeeze %dma_start3A_14 : memref<1x128xi32, #tpu.memory_space<hbm>> -> memref<128xi32, #tpu.memory_space<hbm>>
    tpu.enqueue_dma source(%dma_start3A_15 : memref<128xi32, #tpu.memory_space<hbm>>) target(%arg9 : memref<128xi32, #tpu.memory_space<vmem>>) target_semaphore(%arg18 : memref<!tpu.dma_semaphore, #tpu.memory_space<semaphore_mem>>)
    %add3A_16 = arith.constant 128 : i32
    %add3A_17 = arith.addi %mul3A_2, %add3A_16 : i32
    %dma_start3A_18 = arith.constant 0 : i32
    %dma_start3A_19 = tpu.memref_slice %arg3[%dma_start3A_18, %add3A_17] : memref<2x320000xi32, #tpu.memory_space<hbm>> -> memref<1x128xi32, #tpu.memory_space<hbm>>
    %dma_start3A_20 = tpu.memref_squeeze %dma_start3A_19 : memref<1x128xi32, #tpu.memory_space<hbm>> -> memref<128xi32, #tpu.memory_space<hbm>>
    %dma_start3A_21 = tpu.memref_slice %arg3[%dma_start3A_18, %add3A_17] : memref<2x320000xi32, #tpu.memory_space<hbm>> -> memref<1x128xi32, #tpu.memory_space<hbm>>
    %dma_start3A_22 = tpu.memref_squeeze %dma_start3A_21 : memref<1x128xi32, #tpu.memory_space<hbm>> -> memref<128xi32, #tpu.memory_space<hbm>>
    tpu.enqueue_dma source(%dma_start3A_22 : memref<128xi32, #tpu.memory_space<hbm>>) target(%arg7 : memref<128xi32, #tpu.memory_space<vmem>>) target_semaphore(%arg19 : memref<!tpu.dma_semaphore, #tpu.memory_space<semaphore_mem>>)
    %add3A_23 = arith.constant 128 : i32
    %add3A_24 = arith.addi %mul3A_2, %add3A_23 : i32
    %dma_start3A_25 = arith.constant 1 : i32
    %dma_start3A_26 = tpu.memref_slice %arg3[%dma_start3A_25, %add3A_24] : memref<2x320000xi32, #tpu.memory_space<hbm>> -> memref<1x128xi32, #tpu.memory_space<hbm>>
    %dma_start3A_27 = tpu.memref_squeeze %dma_start3A_26 : memref<1x128xi32, #tpu.memory_space<hbm>> -> memref<128xi32, #tpu.memory_space<hbm>>
    %dma_start3A_28 = tpu.memref_slice %arg3[%dma_start3A_25, %add3A_24] : memref<2x320000xi32, #tpu.memory_space<hbm>> -> memref<1x128xi32, #tpu.memory_space<hbm>>
    %dma_start3A_29 = tpu.memref_squeeze %dma_start3A_28 : memref<1x128xi32, #tpu.memory_space<hbm>> -> memref<128xi32, #tpu.memory_space<hbm>>
    tpu.enqueue_dma source(%dma_start3A_29 : memref<128xi32, #tpu.memory_space<hbm>>) target(%arg10 : memref<128xi32, #tpu.memory_space<vmem>>) target_semaphore(%arg19 : memref<!tpu.dma_semaphore, #tpu.memory_space<semaphore_mem>>)
    %add3A_30 = arith.constant 256 : i32
    %add3A_31 = arith.addi %mul3A_2, %add3A_30 : i32
    %dma_start3A_32 = arith.constant 0 : i32
    %dma_start3A_33 = tpu.memref_slice %arg3[%dma_start3A_32, %add3A_31] : memref<2x320000xi32, #tpu.memory_space<hbm>> -> memref<1x128xi32, #tpu.memory_space<hbm>>
    %dma_start3A_34 = tpu.memref_squeeze %dma_start3A_33 : memref<1x128xi32, #tpu.memory_space<hbm>> -> memref<128xi32, #tpu.memory_space<hbm>>
    %dma_start3A_35 = tpu.memref_slice %arg3[%dma_start3A_32, %add3A_31] : memref<2x320000xi32, #tpu.memory_space<hbm>> -> memref<1x128xi32, #tpu.memory_space<hbm>>
    %dma_start3A_36 = tpu.memref_squeeze %dma_start3A_35 : memref<1x128xi32, #tpu.memory_space<hbm>> -> memref<128xi32, #tpu.memory_space<hbm>>
    tpu.enqueue_dma source(%dma_start3A_36 : memref<128xi32, #tpu.memory_space<hbm>>) target(%arg8 : memref<128xi32, #tpu.memory_space<vmem>>) target_semaphore(%arg20 : memref<!tpu.dma_semaphore, #tpu.memory_space<semaphore_mem>>)
    %add3A_37 = arith.constant 256 : i32
    %add3A_38 = arith.addi %mul3A_2, %add3A_37 : i32
    %dma_start3A_39 = arith.constant 1 : i32
    %dma_start3A_40 = tpu.memref_slice %arg3[%dma_start3A_39, %add3A_38] : memref<2x320000xi32, #tpu.memory_space<hbm>> -> memref<1x128xi32, #tpu.memory_space<hbm>>
    %dma_start3A_41 = tpu.memref_squeeze %dma_start3A_40 : memref<1x128xi32, #tpu.memory_space<hbm>> -> memref<128xi32, #tpu.memory_space<hbm>>
    %dma_start3A_42 = tpu.memref_slice %arg3[%dma_start3A_39, %add3A_38] : memref<2x320000xi32, #tpu.memory_space<hbm>> -> memref<1x128xi32, #tpu.memory_space<hbm>>
    %dma_start3A_43 = tpu.memref_squeeze %dma_start3A_42 : memref<1x128xi32, #tpu.memory_space<hbm>> -> memref<128xi32, #tpu.memory_space<hbm>>
    tpu.enqueue_dma source(%dma_start3A_43 : memref<128xi32, #tpu.memory_space<hbm>>) target(%arg11 : memref<128xi32, #tpu.memory_space<vmem>>) target_semaphore(%arg20 : memref<!tpu.dma_semaphore, #tpu.memory_space<semaphore_mem>>)
    %add3A_44 = arith.constant 0 : i32
    %add3A_45 = arith.addi %arg1, %add3A_44 : i32
    %lt3A = arith.constant 125 : i32
    %lt3A_46 = arith.cmpi slt, %add3A_45, %lt3A : i32
    %convert_element_type3A = arith.extui %lt3A_46 : i1 to i32
    %cond3A = arith.constant 0 : i32
    %cond3A_47 = arith.cmpi ne, %convert_element_type3A, %cond3A : i32
    scf.if %cond3A_47 {
      %mul3A_304 = arith.constant 80 : i32
      %mul3A_305 = arith.muli %add3A_45, %mul3A_304 : i32
      %dma_start3A_306 = arith.constant 0 : i32
      %dma_start3A_307 = tpu.memref_slice %arg17[%mul3A_305, %dma_start3A_306] : memref<10000x128xbf16, #tpu.memory_space<vmem_shared>> -> memref<80x128xbf16, #tpu.memory_space<vmem_shared>>
      tpu.enqueue_dma source(%arg4 : memref<80x128xbf16, #tpu.memory_space<hbm>>) target(%dma_start3A_307 : memref<80x128xbf16, #tpu.memory_space<vmem_shared>>) target_semaphore(%arg24 : memref<!tpu.dma_semaphore, #tpu.memory_space<semaphore_mem>>)
    } else {
    }
    %add3A_48 = arith.constant 16 : i32
    %add3A_49 = arith.addi %arg1, %add3A_48 : i32
    %lt3A_50 = arith.constant 125 : i32
    %lt3A_51 = arith.cmpi slt, %add3A_49, %lt3A_50 : i32
    %convert_element_type3A_52 = arith.extui %lt3A_51 : i1 to i32
    %cond3A_53 = arith.constant 0 : i32
    %cond3A_54 = arith.cmpi ne, %convert_element_type3A_52, %cond3A_53 : i32
    scf.if %cond3A_54 {
      %mul3A_304 = arith.constant 80 : i32
      %mul3A_305 = arith.muli %add3A_49, %mul3A_304 : i32
      %dma_start3A_306 = arith.constant 0 : i32
      %dma_start3A_307 = tpu.memref_slice %arg17[%mul3A_305, %dma_start3A_306] : memref<10000x128xbf16, #tpu.memory_space<vmem_shared>> -> memref<80x128xbf16, #tpu.memory_space<vmem_shared>>
      tpu.enqueue_dma source(%arg4 : memref<80x128xbf16, #tpu.memory_space<hbm>>) target(%dma_start3A_307 : memref<80x128xbf16, #tpu.memory_space<vmem_shared>>) target_semaphore(%arg24 : memref<!tpu.dma_semaphore, #tpu.memory_space<semaphore_mem>>)
    } else {
    }
    %add3A_55 = arith.constant 32 : i32
    %add3A_56 = arith.addi %arg1, %add3A_55 : i32
    %lt3A_57 = arith.constant 125 : i32
    %lt3A_58 = arith.cmpi slt, %add3A_56, %lt3A_57 : i32
    %convert_element_type3A_59 = arith.extui %lt3A_58 : i1 to i32
    %cond3A_60 = arith.constant 0 : i32
    %cond3A_61 = arith.cmpi ne, %convert_element_type3A_59, %cond3A_60 : i32
    scf.if %cond3A_61 {
      %mul3A_304 = arith.constant 80 : i32
      %mul3A_305 = arith.muli %add3A_56, %mul3A_304 : i32
      %dma_start3A_306 = arith.constant 0 : i32
      %dma_start3A_307 = tpu.memref_slice %arg17[%mul3A_305, %dma_start3A_306] : memref<10000x128xbf16, #tpu.memory_space<vmem_shared>> -> memref<80x128xbf16, #tpu.memory_space<vmem_shared>>
      tpu.enqueue_dma source(%arg4 : memref<80x128xbf16, #tpu.memory_space<hbm>>) target(%dma_start3A_307 : memref<80x128xbf16, #tpu.memory_space<vmem_shared>>) target_semaphore(%arg24 : memref<!tpu.dma_semaphore, #tpu.memory_space<semaphore_mem>>)
    } else {
    }
    %add3A_62 = arith.constant 48 : i32
    %add3A_63 = arith.addi %arg1, %add3A_62 : i32
    %lt3A_64 = arith.constant 125 : i32
    %lt3A_65 = arith.cmpi slt, %add3A_63, %lt3A_64 : i32
    %convert_element_type3A_66 = arith.extui %lt3A_65 : i1 to i32
    %cond3A_67 = arith.constant 0 : i32
    %cond3A_68 = arith.cmpi ne, %convert_element_type3A_66, %cond3A_67 : i32
    scf.if %cond3A_68 {
      %mul3A_304 = arith.constant 80 : i32
      %mul3A_305 = arith.muli %add3A_63, %mul3A_304 : i32
      %dma_start3A_306 = arith.constant 0 : i32
      %dma_start3A_307 = tpu.memref_slice %arg17[%mul3A_305, %dma_start3A_306] : memref<10000x128xbf16, #tpu.memory_space<vmem_shared>> -> memref<80x128xbf16, #tpu.memory_space<vmem_shared>>
      tpu.enqueue_dma source(%arg4 : memref<80x128xbf16, #tpu.memory_space<hbm>>) target(%dma_start3A_307 : memref<80x128xbf16, #tpu.memory_space<vmem_shared>>) target_semaphore(%arg24 : memref<!tpu.dma_semaphore, #tpu.memory_space<semaphore_mem>>)
    } else {
    }
    %add3A_69 = arith.constant 64 : i32
    %add3A_70 = arith.addi %arg1, %add3A_69 : i32
    %lt3A_71 = arith.constant 125 : i32
    %lt3A_72 = arith.cmpi slt, %add3A_70, %lt3A_71 : i32
    %convert_element_type3A_73 = arith.extui %lt3A_72 : i1 to i32
    %cond3A_74 = arith.constant 0 : i32
    %cond3A_75 = arith.cmpi ne, %convert_element_type3A_73, %cond3A_74 : i32
    scf.if %cond3A_75 {
      %mul3A_304 = arith.constant 80 : i32
      %mul3A_305 = arith.muli %add3A_70, %mul3A_304 : i32
      %dma_start3A_306 = arith.constant 0 : i32
      %dma_start3A_307 = tpu.memref_slice %arg17[%mul3A_305, %dma_start3A_306] : memref<10000x128xbf16, #tpu.memory_space<vmem_shared>> -> memref<80x128xbf16, #tpu.memory_space<vmem_shared>>
      tpu.enqueue_dma source(%arg4 : memref<80x128xbf16, #tpu.memory_space<hbm>>) target(%dma_start3A_307 : memref<80x128xbf16, #tpu.memory_space<vmem_shared>>) target_semaphore(%arg24 : memref<!tpu.dma_semaphore, #tpu.memory_space<semaphore_mem>>)
    } else {
    }
    %add3A_76 = arith.constant 80 : i32
    %add3A_77 = arith.addi %arg1, %add3A_76 : i32
    %lt3A_78 = arith.constant 125 : i32
    %lt3A_79 = arith.cmpi slt, %add3A_77, %lt3A_78 : i32
    %convert_element_type3A_80 = arith.extui %lt3A_79 : i1 to i32
    %cond3A_81 = arith.constant 0 : i32
    %cond3A_82 = arith.cmpi ne, %convert_element_type3A_80, %cond3A_81 : i32
    scf.if %cond3A_82 {
      %mul3A_304 = arith.constant 80 : i32
      %mul3A_305 = arith.muli %add3A_77, %mul3A_304 : i32
      %dma_start3A_306 = arith.constant 0 : i32
      %dma_start3A_307 = tpu.memref_slice %arg17[%mul3A_305, %dma_start3A_306] : memref<10000x128xbf16, #tpu.memory_space<vmem_shared>> -> memref<80x128xbf16, #tpu.memory_space<vmem_shared>>
      tpu.enqueue_dma source(%arg4 : memref<80x128xbf16, #tpu.memory_space<hbm>>) target(%dma_start3A_307 : memref<80x128xbf16, #tpu.memory_space<vmem_shared>>) target_semaphore(%arg24 : memref<!tpu.dma_semaphore, #tpu.memory_space<semaphore_mem>>)
    } else {
    }
    %add3A_83 = arith.constant 96 : i32
    %add3A_84 = arith.addi %arg1, %add3A_83 : i32
    %lt3A_85 = arith.constant 125 : i32
    %lt3A_86 = arith.cmpi slt, %add3A_84, %lt3A_85 : i32
    %convert_element_type3A_87 = arith.extui %lt3A_86 : i1 to i32
    %cond3A_88 = arith.constant 0 : i32
    %cond3A_89 = arith.cmpi ne, %convert_element_type3A_87, %cond3A_88 : i32
    scf.if %cond3A_89 {
      %mul3A_304 = arith.constant 80 : i32
      %mul3A_305 = arith.muli %add3A_84, %mul3A_304 : i32
      %dma_start3A_306 = arith.constant 0 : i32
      %dma_start3A_307 = tpu.memref_slice %arg17[%mul3A_305, %dma_start3A_306] : memref<10000x128xbf16, #tpu.memory_space<vmem_shared>> -> memref<80x128xbf16, #tpu.memory_space<vmem_shared>>
      tpu.enqueue_dma source(%arg4 : memref<80x128xbf16, #tpu.memory_space<hbm>>) target(%dma_start3A_307 : memref<80x128xbf16, #tpu.memory_space<vmem_shared>>) target_semaphore(%arg24 : memref<!tpu.dma_semaphore, #tpu.memory_space<semaphore_mem>>)
    } else {
    }
    %add3A_90 = arith.constant 112 : i32
    %add3A_91 = arith.addi %arg1, %add3A_90 : i32
    %lt3A_92 = arith.constant 125 : i32
    %lt3A_93 = arith.cmpi slt, %add3A_91, %lt3A_92 : i32
    %convert_element_type3A_94 = arith.extui %lt3A_93 : i1 to i32
    %cond3A_95 = arith.constant 0 : i32
    %cond3A_96 = arith.cmpi ne, %convert_element_type3A_94, %cond3A_95 : i32
    scf.if %cond3A_96 {
      %mul3A_304 = arith.constant 80 : i32
      %mul3A_305 = arith.muli %add3A_91, %mul3A_304 : i32
      %dma_start3A_306 = arith.constant 0 : i32
      %dma_start3A_307 = tpu.memref_slice %arg17[%mul3A_305, %dma_start3A_306] : memref<10000x128xbf16, #tpu.memory_space<vmem_shared>> -> memref<80x128xbf16, #tpu.memory_space<vmem_shared>>
      tpu.enqueue_dma source(%arg4 : memref<80x128xbf16, #tpu.memory_space<hbm>>) target(%dma_start3A_307 : memref<80x128xbf16, #tpu.memory_space<vmem_shared>>) target_semaphore(%arg24 : memref<!tpu.dma_semaphore, #tpu.memory_space<semaphore_mem>>)
    } else {
    }
    %add3A_97 = arith.constant 0 : i32
    %add3A_98 = arith.addi %arg1, %add3A_97 : i32
    %lt3A_99 = arith.constant 125 : i32
    %lt3A_100 = arith.cmpi slt, %add3A_98, %lt3A_99 : i32
    %convert_element_type3A_101 = arith.extui %lt3A_100 : i1 to i32
    %cond3A_102 = arith.constant 0 : i32
    %cond3A_103 = arith.cmpi ne, %convert_element_type3A_101, %cond3A_102 : i32
    scf.if %cond3A_103 {
      %mul3A_304 = arith.constant 80 : i32
      %mul3A_305 = arith.muli %add3A_98, %mul3A_304 : i32
      %dma_wait3A_306 = arith.constant 0 : i32
      %dma_wait3A_307 = tpu.memref_slice %arg17[%mul3A_305, %dma_wait3A_306] : memref<10000x128xbf16, #tpu.memory_space<vmem_shared>> -> memref<80x128xbf16, #tpu.memory_space<vmem_shared>>
      tpu.wait_dma2 semaphore(%arg24 : memref<!tpu.dma_semaphore, #tpu.memory_space<semaphore_mem>>) src(%arg4 : memref<80x128xbf16, #tpu.memory_space<hbm>>) dst(%dma_wait3A_307 : memref<80x128xbf16, #tpu.memory_space<vmem_shared>>)
    } else {
    }
    %add3A_104 = arith.constant 16 : i32
    %add3A_105 = arith.addi %arg1, %add3A_104 : i32
    %lt3A_106 = arith.constant 125 : i32
    %lt3A_107 = arith.cmpi slt, %add3A_105, %lt3A_106 : i32
    %convert_element_type3A_108 = arith.extui %lt3A_107 : i1 to i32
    %cond3A_109 = arith.constant 0 : i32
    %cond3A_110 = arith.cmpi ne, %convert_element_type3A_108, %cond3A_109 : i32
    scf.if %cond3A_110 {
      %mul3A_304 = arith.constant 80 : i32
      %mul3A_305 = arith.muli %add3A_105, %mul3A_304 : i32
      %dma_wait3A_306 = arith.constant 0 : i32
      %dma_wait3A_307 = tpu.memref_slice %arg17[%mul3A_305, %dma_wait3A_306] : memref<10000x128xbf16, #tpu.memory_space<vmem_shared>> -> memref<80x128xbf16, #tpu.memory_space<vmem_shared>>
      tpu.wait_dma2 semaphore(%arg24 : memref<!tpu.dma_semaphore, #tpu.memory_space<semaphore_mem>>) src(%arg4 : memref<80x128xbf16, #tpu.memory_space<hbm>>) dst(%dma_wait3A_307 : memref<80x128xbf16, #tpu.memory_space<vmem_shared>>)
    } else {
    }
    %add3A_111 = arith.constant 32 : i32
    %add3A_112 = arith.addi %arg1, %add3A_111 : i32
    %lt3A_113 = arith.constant 125 : i32
    %lt3A_114 = arith.cmpi slt, %add3A_112, %lt3A_113 : i32
    %convert_element_type3A_115 = arith.extui %lt3A_114 : i1 to i32
    %cond3A_116 = arith.constant 0 : i32
    %cond3A_117 = arith.cmpi ne, %convert_element_type3A_115, %cond3A_116 : i32
    scf.if %cond3A_117 {
      %mul3A_304 = arith.constant 80 : i32
      %mul3A_305 = arith.muli %add3A_112, %mul3A_304 : i32
      %dma_wait3A_306 = arith.constant 0 : i32
      %dma_wait3A_307 = tpu.memref_slice %arg17[%mul3A_305, %dma_wait3A_306] : memref<10000x128xbf16, #tpu.memory_space<vmem_shared>> -> memref<80x128xbf16, #tpu.memory_space<vmem_shared>>
      tpu.wait_dma2 semaphore(%arg24 : memref<!tpu.dma_semaphore, #tpu.memory_space<semaphore_mem>>) src(%arg4 : memref<80x128xbf16, #tpu.memory_space<hbm>>) dst(%dma_wait3A_307 : memref<80x128xbf16, #tpu.memory_space<vmem_shared>>)
    } else {
    }
    %add3A_118 = arith.constant 48 : i32
    %add3A_119 = arith.addi %arg1, %add3A_118 : i32
    %lt3A_120 = arith.constant 125 : i32
    %lt3A_121 = arith.cmpi slt, %add3A_119, %lt3A_120 : i32
    %convert_element_type3A_122 = arith.extui %lt3A_121 : i1 to i32
    %cond3A_123 = arith.constant 0 : i32
    %cond3A_124 = arith.cmpi ne, %convert_element_type3A_122, %cond3A_123 : i32
    scf.if %cond3A_124 {
      %mul3A_304 = arith.constant 80 : i32
      %mul3A_305 = arith.muli %add3A_119, %mul3A_304 : i32
      %dma_wait3A_306 = arith.constant 0 : i32
      %dma_wait3A_307 = tpu.memref_slice %arg17[%mul3A_305, %dma_wait3A_306] : memref<10000x128xbf16, #tpu.memory_space<vmem_shared>> -> memref<80x128xbf16, #tpu.memory_space<vmem_shared>>
      tpu.wait_dma2 semaphore(%arg24 : memref<!tpu.dma_semaphore, #tpu.memory_space<semaphore_mem>>) src(%arg4 : memref<80x128xbf16, #tpu.memory_space<hbm>>) dst(%dma_wait3A_307 : memref<80x128xbf16, #tpu.memory_space<vmem_shared>>)
    } else {
    }
    %add3A_125 = arith.constant 64 : i32
    %add3A_126 = arith.addi %arg1, %add3A_125 : i32
    %lt3A_127 = arith.constant 125 : i32
    %lt3A_128 = arith.cmpi slt, %add3A_126, %lt3A_127 : i32
    %convert_element_type3A_129 = arith.extui %lt3A_128 : i1 to i32
    %cond3A_130 = arith.constant 0 : i32
    %cond3A_131 = arith.cmpi ne, %convert_element_type3A_129, %cond3A_130 : i32
    scf.if %cond3A_131 {
      %mul3A_304 = arith.constant 80 : i32
      %mul3A_305 = arith.muli %add3A_126, %mul3A_304 : i32
      %dma_wait3A_306 = arith.constant 0 : i32
      %dma_wait3A_307 = tpu.memref_slice %arg17[%mul3A_305, %dma_wait3A_306] : memref<10000x128xbf16, #tpu.memory_space<vmem_shared>> -> memref<80x128xbf16, #tpu.memory_space<vmem_shared>>
      tpu.wait_dma2 semaphore(%arg24 : memref<!tpu.dma_semaphore, #tpu.memory_space<semaphore_mem>>) src(%arg4 : memref<80x128xbf16, #tpu.memory_space<hbm>>) dst(%dma_wait3A_307 : memref<80x128xbf16, #tpu.memory_space<vmem_shared>>)
    } else {
    }
    %add3A_132 = arith.constant 80 : i32
    %add3A_133 = arith.addi %arg1, %add3A_132 : i32
    %lt3A_134 = arith.constant 125 : i32
    %lt3A_135 = arith.cmpi slt, %add3A_133, %lt3A_134 : i32
    %convert_element_type3A_136 = arith.extui %lt3A_135 : i1 to i32
    %cond3A_137 = arith.constant 0 : i32
    %cond3A_138 = arith.cmpi ne, %convert_element_type3A_136, %cond3A_137 : i32
    scf.if %cond3A_138 {
      %mul3A_304 = arith.constant 80 : i32
      %mul3A_305 = arith.muli %add3A_133, %mul3A_304 : i32
      %dma_wait3A_306 = arith.constant 0 : i32
      %dma_wait3A_307 = tpu.memref_slice %arg17[%mul3A_305, %dma_wait3A_306] : memref<10000x128xbf16, #tpu.memory_space<vmem_shared>> -> memref<80x128xbf16, #tpu.memory_space<vmem_shared>>
      tpu.wait_dma2 semaphore(%arg24 : memref<!tpu.dma_semaphore, #tpu.memory_space<semaphore_mem>>) src(%arg4 : memref<80x128xbf16, #tpu.memory_space<hbm>>) dst(%dma_wait3A_307 : memref<80x128xbf16, #tpu.memory_space<vmem_shared>>)
    } else {
    }
    %add3A_139 = arith.constant 96 : i32
    %add3A_140 = arith.addi %arg1, %add3A_139 : i32
    %lt3A_141 = arith.constant 125 : i32
    %lt3A_142 = arith.cmpi slt, %add3A_140, %lt3A_141 : i32
    %convert_element_type3A_143 = arith.extui %lt3A_142 : i1 to i32
    %cond3A_144 = arith.constant 0 : i32
    %cond3A_145 = arith.cmpi ne, %convert_element_type3A_143, %cond3A_144 : i32
    scf.if %cond3A_145 {
      %mul3A_304 = arith.constant 80 : i32
      %mul3A_305 = arith.muli %add3A_140, %mul3A_304 : i32
      %dma_wait3A_306 = arith.constant 0 : i32
      %dma_wait3A_307 = tpu.memref_slice %arg17[%mul3A_305, %dma_wait3A_306] : memref<10000x128xbf16, #tpu.memory_space<vmem_shared>> -> memref<80x128xbf16, #tpu.memory_space<vmem_shared>>
      tpu.wait_dma2 semaphore(%arg24 : memref<!tpu.dma_semaphore, #tpu.memory_space<semaphore_mem>>) src(%arg4 : memref<80x128xbf16, #tpu.memory_space<hbm>>) dst(%dma_wait3A_307 : memref<80x128xbf16, #tpu.memory_space<vmem_shared>>)
    } else {
    }
    %add3A_146 = arith.constant 112 : i32
    %add3A_147 = arith.addi %arg1, %add3A_146 : i32
    %lt3A_148 = arith.constant 125 : i32
    %lt3A_149 = arith.cmpi slt, %add3A_147, %lt3A_148 : i32
    %convert_element_type3A_150 = arith.extui %lt3A_149 : i1 to i32
    %cond3A_151 = arith.constant 0 : i32
    %cond3A_152 = arith.cmpi ne, %convert_element_type3A_150, %cond3A_151 : i32
    scf.if %cond3A_152 {
      %mul3A_304 = arith.constant 80 : i32
      %mul3A_305 = arith.muli %add3A_147, %mul3A_304 : i32
      %dma_wait3A_306 = arith.constant 0 : i32
      %dma_wait3A_307 = tpu.memref_slice %arg17[%mul3A_305, %dma_wait3A_306] : memref<10000x128xbf16, #tpu.memory_space<vmem_shared>> -> memref<80x128xbf16, #tpu.memory_space<vmem_shared>>
      tpu.wait_dma2 semaphore(%arg24 : memref<!tpu.dma_semaphore, #tpu.memory_space<semaphore_mem>>) src(%arg4 : memref<80x128xbf16, #tpu.memory_space<hbm>>) dst(%dma_wait3A_307 : memref<80x128xbf16, #tpu.memory_space<vmem_shared>>)
    } else {
    }
    %barrier3A = arith.constant 0 : index
    tpu.barrier barrier_id(%barrier3A)
    %scan3A = arith.constant 0 : i32
    %scan3A_153 = arith.constant 0 : i32
    %scan3A_154 = arith.constant 26 : i32
    %scan3A_155 = arith.addi %scan3A_153, %scan3A_154 : i32
    %scan3A_156 = arith.constant 1 : i32
    scf.for %scan3A_304 = %scan3A_153 to %scan3A_155 step %scan3A_156  : i32 {
      %mul3A_305 = arith.constant 3 : i32
      %mul3A_306 = arith.muli %scan3A_304, %mul3A_305 : i32
      %add3A_307 = arith.constant 0 : i32
      %add3A_308 = arith.addi %mul3A_306, %add3A_307 : i32
      %mul3A_309 = arith.constant 128 : i32
      %mul3A_310 = arith.muli %add3A_308, %mul3A_309 : i32
      %add3A_311 = arith.addi %mul3A_2, %mul3A_310 : i32
      %dma_wait3A_312 = arith.constant 0 : i32
      %dma_wait3A_313 = tpu.memref_slice %arg3[%dma_wait3A_312, %add3A_311] : memref<2x320000xi32, #tpu.memory_space<hbm>> -> memref<1x128xi32, #tpu.memory_space<hbm>>
      %dma_wait3A_314 = tpu.memref_squeeze %dma_wait3A_313 : memref<1x128xi32, #tpu.memory_space<hbm>> -> memref<128xi32, #tpu.memory_space<hbm>>
      %dma_wait3A_315 = tpu.memref_slice %arg3[%dma_wait3A_312, %add3A_311] : memref<2x320000xi32, #tpu.memory_space<hbm>> -> memref<1x128xi32, #tpu.memory_space<hbm>>
      %dma_wait3A_316 = tpu.memref_squeeze %dma_wait3A_315 : memref<1x128xi32, #tpu.memory_space<hbm>> -> memref<128xi32, #tpu.memory_space<hbm>>
      tpu.wait_dma2 semaphore(%arg18 : memref<!tpu.dma_semaphore, #tpu.memory_space<semaphore_mem>>) src(%dma_wait3A_316 : memref<128xi32, #tpu.memory_space<hbm>>) dst(%arg6 : memref<128xi32, #tpu.memory_space<vmem>>)
      %mul3A_317 = arith.constant 128 : i32
      %mul3A_318 = arith.muli %add3A_308, %mul3A_317 : i32
      %add3A_319 = arith.addi %mul3A_2, %mul3A_318 : i32
      %dma_wait3A_320 = arith.constant 1 : i32
      %dma_wait3A_321 = tpu.memref_slice %arg3[%dma_wait3A_320, %add3A_319] : memref<2x320000xi32, #tpu.memory_space<hbm>> -> memref<1x128xi32, #tpu.memory_space<hbm>>
      %dma_wait3A_322 = tpu.memref_squeeze %dma_wait3A_321 : memref<1x128xi32, #tpu.memory_space<hbm>> -> memref<128xi32, #tpu.memory_space<hbm>>
      %dma_wait3A_323 = tpu.memref_slice %arg3[%dma_wait3A_320, %add3A_319] : memref<2x320000xi32, #tpu.memory_space<hbm>> -> memref<1x128xi32, #tpu.memory_space<hbm>>
      %dma_wait3A_324 = tpu.memref_squeeze %dma_wait3A_323 : memref<1x128xi32, #tpu.memory_space<hbm>> -> memref<128xi32, #tpu.memory_space<hbm>>
      tpu.wait_dma2 semaphore(%arg18 : memref<!tpu.dma_semaphore, #tpu.memory_space<semaphore_mem>>) src(%dma_wait3A_324 : memref<128xi32, #tpu.memory_space<hbm>>) dst(%arg9 : memref<128xi32, #tpu.memory_space<vmem>>)
      %dma_start3A_325 = arith.constant 0 : i32
      %dma_start3A_326 = arith.constant 0 : i32
      %dma_start3A_327 = tpu.memref_slice %arg2[%dma_start3A_325, %dma_start3A_326] : memref<10000x128xbf16, #tpu.memory_space<hbm>> -> memref<10000x128xbf16, #tpu.memory_space<hbm>>
      tpu.enqueue_indirect_dma source(%dma_start3A_327 : memref<10000x128xbf16, #tpu.memory_space<hbm>>) target(%arg14 : memref<128x128xbf16, #tpu.memory_space<vmem>>) offsets(%arg6 : memref<128xi32, #tpu.memory_space<vmem>>) semaphore(%arg21 : memref<!tpu.dma_semaphore, #tpu.memory_space<semaphore_mem>>)
      %add3A_328 = arith.constant 1 : i32
      %add3A_329 = arith.addi %mul3A_306, %add3A_328 : i32
      %mul3A_330 = arith.constant 128 : i32
      %mul3A_331 = arith.muli %add3A_329, %mul3A_330 : i32
      %add3A_332 = arith.addi %mul3A_2, %mul3A_331 : i32
      %dma_wait3A_333 = arith.constant 0 : i32
      %dma_wait3A_334 = tpu.memref_slice %arg3[%dma_wait3A_333, %add3A_332] : memref<2x320000xi32, #tpu.memory_space<hbm>> -> memref<1x128xi32, #tpu.memory_space<hbm>>
      %dma_wait3A_335 = tpu.memref_squeeze %dma_wait3A_334 : memref<1x128xi32, #tpu.memory_space<hbm>> -> memref<128xi32, #tpu.memory_space<hbm>>
      %dma_wait3A_336 = tpu.memref_slice %arg3[%dma_wait3A_333, %add3A_332] : memref<2x320000xi32, #tpu.memory_space<hbm>> -> memref<1x128xi32, #tpu.memory_space<hbm>>
      %dma_wait3A_337 = tpu.memref_squeeze %dma_wait3A_336 : memref<1x128xi32, #tpu.memory_space<hbm>> -> memref<128xi32, #tpu.memory_space<hbm>>
      tpu.wait_dma2 semaphore(%arg19 : memref<!tpu.dma_semaphore, #tpu.memory_space<semaphore_mem>>) src(%dma_wait3A_337 : memref<128xi32, #tpu.memory_space<hbm>>) dst(%arg7 : memref<128xi32, #tpu.memory_space<vmem>>)
      %mul3A_338 = arith.constant 128 : i32
      %mul3A_339 = arith.muli %add3A_329, %mul3A_338 : i32
      %add3A_340 = arith.addi %mul3A_2, %mul3A_339 : i32
      %dma_wait3A_341 = arith.constant 1 : i32
      %dma_wait3A_342 = tpu.memref_slice %arg3[%dma_wait3A_341, %add3A_340] : memref<2x320000xi32, #tpu.memory_space<hbm>> -> memref<1x128xi32, #tpu.memory_space<hbm>>
      %dma_wait3A_343 = tpu.memref_squeeze %dma_wait3A_342 : memref<1x128xi32, #tpu.memory_space<hbm>> -> memref<128xi32, #tpu.memory_space<hbm>>
      %dma_wait3A_344 = tpu.memref_slice %arg3[%dma_wait3A_341, %add3A_340] : memref<2x320000xi32, #tpu.memory_space<hbm>> -> memref<1x128xi32, #tpu.memory_space<hbm>>
      %dma_wait3A_345 = tpu.memref_squeeze %dma_wait3A_344 : memref<1x128xi32, #tpu.memory_space<hbm>> -> memref<128xi32, #tpu.memory_space<hbm>>
      tpu.wait_dma2 semaphore(%arg19 : memref<!tpu.dma_semaphore, #tpu.memory_space<semaphore_mem>>) src(%dma_wait3A_345 : memref<128xi32, #tpu.memory_space<hbm>>) dst(%arg10 : memref<128xi32, #tpu.memory_space<vmem>>)
      %dma_start3A_346 = arith.constant 0 : i32
      %dma_start3A_347 = arith.constant 0 : i32
      %dma_start3A_348 = tpu.memref_slice %arg2[%dma_start3A_346, %dma_start3A_347] : memref<10000x128xbf16, #tpu.memory_space<hbm>> -> memref<10000x128xbf16, #tpu.memory_space<hbm>>
      tpu.enqueue_indirect_dma source(%dma_start3A_348 : memref<10000x128xbf16, #tpu.memory_space<hbm>>) target(%arg15 : memref<128x128xbf16, #tpu.memory_space<vmem>>) offsets(%arg7 : memref<128xi32, #tpu.memory_space<vmem>>) semaphore(%arg22 : memref<!tpu.dma_semaphore, #tpu.memory_space<semaphore_mem>>)
      %add3A_349 = arith.constant 2 : i32
      %add3A_350 = arith.addi %mul3A_306, %add3A_349 : i32
      %mul3A_351 = arith.constant 128 : i32
      %mul3A_352 = arith.muli %add3A_350, %mul3A_351 : i32
      %add3A_353 = arith.addi %mul3A_2, %mul3A_352 : i32
      %dma_wait3A_354 = arith.constant 0 : i32
      %dma_wait3A_355 = tpu.memref_slice %arg3[%dma_wait3A_354, %add3A_353] : memref<2x320000xi32, #tpu.memory_space<hbm>> -> memref<1x128xi32, #tpu.memory_space<hbm>>
      %dma_wait3A_356 = tpu.memref_squeeze %dma_wait3A_355 : memref<1x128xi32, #tpu.memory_space<hbm>> -> memref<128xi32, #tpu.memory_space<hbm>>
      %dma_wait3A_357 = tpu.memref_slice %arg3[%dma_wait3A_354, %add3A_353] : memref<2x320000xi32, #tpu.memory_space<hbm>> -> memref<1x128xi32, #tpu.memory_space<hbm>>
      %dma_wait3A_358 = tpu.memref_squeeze %dma_wait3A_357 : memref<1x128xi32, #tpu.memory_space<hbm>> -> memref<128xi32, #tpu.memory_space<hbm>>
      tpu.wait_dma2 semaphore(%arg20 : memref<!tpu.dma_semaphore, #tpu.memory_space<semaphore_mem>>) src(%dma_wait3A_358 : memref<128xi32, #tpu.memory_space<hbm>>) dst(%arg8 : memref<128xi32, #tpu.memory_space<vmem>>)
      %mul3A_359 = arith.constant 128 : i32
      %mul3A_360 = arith.muli %add3A_350, %mul3A_359 : i32
      %add3A_361 = arith.addi %mul3A_2, %mul3A_360 : i32
      %dma_wait3A_362 = arith.constant 1 : i32
      %dma_wait3A_363 = tpu.memref_slice %arg3[%dma_wait3A_362, %add3A_361] : memref<2x320000xi32, #tpu.memory_space<hbm>> -> memref<1x128xi32, #tpu.memory_space<hbm>>
      %dma_wait3A_364 = tpu.memref_squeeze %dma_wait3A_363 : memref<1x128xi32, #tpu.memory_space<hbm>> -> memref<128xi32, #tpu.memory_space<hbm>>
      %dma_wait3A_365 = tpu.memref_slice %arg3[%dma_wait3A_362, %add3A_361] : memref<2x320000xi32, #tpu.memory_space<hbm>> -> memref<1x128xi32, #tpu.memory_space<hbm>>
      %dma_wait3A_366 = tpu.memref_squeeze %dma_wait3A_365 : memref<1x128xi32, #tpu.memory_space<hbm>> -> memref<128xi32, #tpu.memory_space<hbm>>
      tpu.wait_dma2 semaphore(%arg20 : memref<!tpu.dma_semaphore, #tpu.memory_space<semaphore_mem>>) src(%dma_wait3A_366 : memref<128xi32, #tpu.memory_space<hbm>>) dst(%arg11 : memref<128xi32, #tpu.memory_space<vmem>>)
      %dma_start3A_367 = arith.constant 0 : i32
      %dma_start3A_368 = arith.constant 0 : i32
      %dma_start3A_369 = tpu.memref_slice %arg2[%dma_start3A_367, %dma_start3A_368] : memref<10000x128xbf16, #tpu.memory_space<hbm>> -> memref<10000x128xbf16, #tpu.memory_space<hbm>>
      tpu.enqueue_indirect_dma source(%dma_start3A_369 : memref<10000x128xbf16, #tpu.memory_space<hbm>>) target(%arg16 : memref<128x128xbf16, #tpu.memory_space<vmem>>) offsets(%arg8 : memref<128xi32, #tpu.memory_space<vmem>>) semaphore(%arg23 : memref<!tpu.dma_semaphore, #tpu.memory_space<semaphore_mem>>)
      %dma_wait3A_370 = arith.constant 0 : i32
      %dma_wait3A_371 = arith.constant 0 : i32
      %dma_wait3A_372 = tpu.memref_slice %arg2[%dma_wait3A_370, %dma_wait3A_371] : memref<10000x128xbf16, #tpu.memory_space<hbm>> -> memref<10000x128xbf16, #tpu.memory_space<hbm>>
      tpu.wait_indirect_dma semaphore(%arg21 : memref<!tpu.dma_semaphore, #tpu.memory_space<semaphore_mem>>) src(%dma_wait3A_372 : memref<10000x128xbf16, #tpu.memory_space<hbm>>) dst(%arg14 : memref<128x128xbf16, #tpu.memory_space<vmem>>)
      %dma_start3A_373 = arith.constant 0 : i32
      %dma_start3A_374 = arith.constant 0 : i32
      %dma_start3A_375 = tpu.memref_slice %arg17[%dma_start3A_373, %dma_start3A_374] : memref<10000x128xbf16, #tpu.memory_space<vmem_shared>> -> memref<10000x128xbf16, #tpu.memory_space<vmem_shared>>
      tpu.enqueue_indirect_dma source(%arg14 : memref<128x128xbf16, #tpu.memory_space<vmem>>) target(%dma_start3A_375 : memref<10000x128xbf16, #tpu.memory_space<vmem_shared>>) offsets(%arg9 : memref<128xi32, #tpu.memory_space<vmem>>) semaphore(%arg24 : memref<!tpu.dma_semaphore, #tpu.memory_space<semaphore_mem>>) {add = true}
      %dma_wait3A_376 = arith.constant 0 : i32
      %dma_wait3A_377 = arith.constant 0 : i32
      %dma_wait3A_378 = tpu.memref_slice %arg2[%dma_wait3A_376, %dma_wait3A_377] : memref<10000x128xbf16, #tpu.memory_space<hbm>> -> memref<10000x128xbf16, #tpu.memory_space<hbm>>
      tpu.wait_indirect_dma semaphore(%arg22 : memref<!tpu.dma_semaphore, #tpu.memory_space<semaphore_mem>>) src(%dma_wait3A_378 : memref<10000x128xbf16, #tpu.memory_space<hbm>>) dst(%arg15 : memref<128x128xbf16, #tpu.memory_space<vmem>>)
      %dma_start3A_379 = arith.constant 0 : i32
      %dma_start3A_380 = arith.constant 0 : i32
      %dma_start3A_381 = tpu.memref_slice %arg17[%dma_start3A_379, %dma_start3A_380] : memref<10000x128xbf16, #tpu.memory_space<vmem_shared>> -> memref<10000x128xbf16, #tpu.memory_space<vmem_shared>>
      tpu.enqueue_indirect_dma source(%arg15 : memref<128x128xbf16, #tpu.memory_space<vmem>>) target(%dma_start3A_381 : memref<10000x128xbf16, #tpu.memory_space<vmem_shared>>) offsets(%arg10 : memref<128xi32, #tpu.memory_space<vmem>>) semaphore(%arg24 : memref<!tpu.dma_semaphore, #tpu.memory_space<semaphore_mem>>) {add = true}
      %dma_wait3A_382 = arith.constant 0 : i32
      %dma_wait3A_383 = arith.constant 0 : i32
      %dma_wait3A_384 = tpu.memref_slice %arg2[%dma_wait3A_382, %dma_wait3A_383] : memref<10000x128xbf16, #tpu.memory_space<hbm>> -> memref<10000x128xbf16, #tpu.memory_space<hbm>>
      tpu.wait_indirect_dma semaphore(%arg23 : memref<!tpu.dma_semaphore, #tpu.memory_space<semaphore_mem>>) src(%dma_wait3A_384 : memref<10000x128xbf16, #tpu.memory_space<hbm>>) dst(%arg16 : memref<128x128xbf16, #tpu.memory_space<vmem>>)
      %dma_start3A_385 = arith.constant 0 : i32
      %dma_start3A_386 = arith.constant 0 : i32
      %dma_start3A_387 = tpu.memref_slice %arg17[%dma_start3A_385, %dma_start3A_386] : memref<10000x128xbf16, #tpu.memory_space<vmem_shared>> -> memref<10000x128xbf16, #tpu.memory_space<vmem_shared>>
      tpu.enqueue_indirect_dma source(%arg16 : memref<128x128xbf16, #tpu.memory_space<vmem>>) target(%dma_start3A_387 : memref<10000x128xbf16, #tpu.memory_space<vmem_shared>>) offsets(%arg11 : memref<128xi32, #tpu.memory_space<vmem>>) semaphore(%arg24 : memref<!tpu.dma_semaphore, #tpu.memory_space<semaphore_mem>>) {add = true}
      %dma_wait3A_388 = arith.constant 0 : i32
      %dma_wait3A_389 = arith.constant 0 : i32
      %dma_wait3A_390 = tpu.memref_slice %arg17[%dma_wait3A_388, %dma_wait3A_389] : memref<10000x128xbf16, #tpu.memory_space<vmem_shared>> -> memref<10000x128xbf16, #tpu.memory_space<vmem_shared>>
      tpu.wait_indirect_dma semaphore(%arg24 : memref<!tpu.dma_semaphore, #tpu.memory_space<semaphore_mem>>) src(%arg14 : memref<128x128xbf16, #tpu.memory_space<vmem>>) dst(%dma_wait3A_390 : memref<10000x128xbf16, #tpu.memory_space<vmem_shared>>)
      %add3A_391 = arith.constant 3 : i32
      %add3A_392 = arith.addi %mul3A_306, %add3A_391 : i32
      %add3A_393 = arith.constant 0 : i32
      %add3A_394 = arith.addi %add3A_392, %add3A_393 : i32
      %lt3A_395 = arith.constant 78 : i32
      %lt3A_396 = arith.cmpi slt, %add3A_394, %lt3A_395 : i32
      %convert_element_type3A_397 = arith.extui %lt3A_396 : i1 to i32
      %cond3A_398 = arith.constant 0 : i32
      %cond3A_399 = arith.cmpi ne, %convert_element_type3A_397, %cond3A_398 : i32
      scf.if %cond3A_399 {
        %mul3A_424 = arith.constant 128 : i32
        %mul3A_425 = arith.muli %add3A_394, %mul3A_424 : i32
        %add3A_426 = arith.addi %mul3A_2, %mul3A_425 : i32
        %dma_start3A_427 = arith.constant 0 : i32
        %dma_start3A_428 = tpu.memref_slice %arg3[%dma_start3A_427, %add3A_426] : memref<2x320000xi32, #tpu.memory_space<hbm>> -> memref<1x128xi32, #tpu.memory_space<hbm>>
        %dma_start3A_429 = tpu.memref_squeeze %dma_start3A_428 : memref<1x128xi32, #tpu.memory_space<hbm>> -> memref<128xi32, #tpu.memory_space<hbm>>
        %dma_start3A_430 = tpu.memref_slice %arg3[%dma_start3A_427, %add3A_426] : memref<2x320000xi32, #tpu.memory_space<hbm>> -> memref<1x128xi32, #tpu.memory_space<hbm>>
        %dma_start3A_431 = tpu.memref_squeeze %dma_start3A_430 : memref<1x128xi32, #tpu.memory_space<hbm>> -> memref<128xi32, #tpu.memory_space<hbm>>
        tpu.enqueue_dma source(%dma_start3A_431 : memref<128xi32, #tpu.memory_space<hbm>>) target(%arg6 : memref<128xi32, #tpu.memory_space<vmem>>) target_semaphore(%arg18 : memref<!tpu.dma_semaphore, #tpu.memory_space<semaphore_mem>>)
        %mul3A_432 = arith.constant 128 : i32
        %mul3A_433 = arith.muli %add3A_394, %mul3A_432 : i32
        %add3A_434 = arith.addi %mul3A_2, %mul3A_433 : i32
        %dma_start3A_435 = arith.constant 1 : i32
        %dma_start3A_436 = tpu.memref_slice %arg3[%dma_start3A_435, %add3A_434] : memref<2x320000xi32, #tpu.memory_space<hbm>> -> memref<1x128xi32, #tpu.memory_space<hbm>>
        %dma_start3A_437 = tpu.memref_squeeze %dma_start3A_436 : memref<1x128xi32, #tpu.memory_space<hbm>> -> memref<128xi32, #tpu.memory_space<hbm>>
        %dma_start3A_438 = tpu.memref_slice %arg3[%dma_start3A_435, %add3A_434] : memref<2x320000xi32, #tpu.memory_space<hbm>> -> memref<1x128xi32, #tpu.memory_space<hbm>>
        %dma_start3A_439 = tpu.memref_squeeze %dma_start3A_438 : memref<1x128xi32, #tpu.memory_space<hbm>> -> memref<128xi32, #tpu.memory_space<hbm>>
        tpu.enqueue_dma source(%dma_start3A_439 : memref<128xi32, #tpu.memory_space<hbm>>) target(%arg9 : memref<128xi32, #tpu.memory_space<vmem>>) target_semaphore(%arg18 : memref<!tpu.dma_semaphore, #tpu.memory_space<semaphore_mem>>)
      } else {
      }
      %dma_wait3A_400 = arith.constant 0 : i32
      %dma_wait3A_401 = arith.constant 0 : i32
      %dma_wait3A_402 = tpu.memref_slice %arg17[%dma_wait3A_400, %dma_wait3A_401] : memref<10000x128xbf16, #tpu.memory_space<vmem_shared>> -> memref<10000x128xbf16, #tpu.memory_space<vmem_shared>>
      tpu.wait_indirect_dma semaphore(%arg24 : memref<!tpu.dma_semaphore, #tpu.memory_space<semaphore_mem>>) src(%arg15 : memref<128x128xbf16, #tpu.memory_space<vmem>>) dst(%dma_wait3A_402 : memref<10000x128xbf16, #tpu.memory_space<vmem_shared>>)
      %add3A_403 = arith.constant 3 : i32
      %add3A_404 = arith.addi %mul3A_306, %add3A_403 : i32
      %add3A_405 = arith.constant 1 : i32
      %add3A_406 = arith.addi %add3A_404, %add3A_405 : i32
      %lt3A_407 = arith.constant 78 : i32
      %lt3A_408 = arith.cmpi slt, %add3A_406, %lt3A_407 : i32
      %convert_element_type3A_409 = arith.extui %lt3A_408 : i1 to i32
      %cond3A_410 = arith.constant 0 : i32
      %cond3A_411 = arith.cmpi ne, %convert_element_type3A_409, %cond3A_410 : i32
      scf.if %cond3A_411 {
        %mul3A_424 = arith.constant 128 : i32
        %mul3A_425 = arith.muli %add3A_406, %mul3A_424 : i32
        %add3A_426 = arith.addi %mul3A_2, %mul3A_425 : i32
        %dma_start3A_427 = arith.constant 0 : i32
        %dma_start3A_428 = tpu.memref_slice %arg3[%dma_start3A_427, %add3A_426] : memref<2x320000xi32, #tpu.memory_space<hbm>> -> memref<1x128xi32, #tpu.memory_space<hbm>>
        %dma_start3A_429 = tpu.memref_squeeze %dma_start3A_428 : memref<1x128xi32, #tpu.memory_space<hbm>> -> memref<128xi32, #tpu.memory_space<hbm>>
        %dma_start3A_430 = tpu.memref_slice %arg3[%dma_start3A_427, %add3A_426] : memref<2x320000xi32, #tpu.memory_space<hbm>> -> memref<1x128xi32, #tpu.memory_space<hbm>>
        %dma_start3A_431 = tpu.memref_squeeze %dma_start3A_430 : memref<1x128xi32, #tpu.memory_space<hbm>> -> memref<128xi32, #tpu.memory_space<hbm>>
        tpu.enqueue_dma source(%dma_start3A_431 : memref<128xi32, #tpu.memory_space<hbm>>) target(%arg7 : memref<128xi32, #tpu.memory_space<vmem>>) target_semaphore(%arg19 : memref<!tpu.dma_semaphore, #tpu.memory_space<semaphore_mem>>)
        %mul3A_432 = arith.constant 128 : i32
        %mul3A_433 = arith.muli %add3A_406, %mul3A_432 : i32
        %add3A_434 = arith.addi %mul3A_2, %mul3A_433 : i32
        %dma_start3A_435 = arith.constant 1 : i32
        %dma_start3A_436 = tpu.memref_slice %arg3[%dma_start3A_435, %add3A_434] : memref<2x320000xi32, #tpu.memory_space<hbm>> -> memref<1x128xi32, #tpu.memory_space<hbm>>
        %dma_start3A_437 = tpu.memref_squeeze %dma_start3A_436 : memref<1x128xi32, #tpu.memory_space<hbm>> -> memref<128xi32, #tpu.memory_space<hbm>>
        %dma_start3A_438 = tpu.memref_slice %arg3[%dma_start3A_435, %add3A_434] : memref<2x320000xi32, #tpu.memory_space<hbm>> -> memref<1x128xi32, #tpu.memory_space<hbm>>
        %dma_start3A_439 = tpu.memref_squeeze %dma_start3A_438 : memref<1x128xi32, #tpu.memory_space<hbm>> -> memref<128xi32, #tpu.memory_space<hbm>>
        tpu.enqueue_dma source(%dma_start3A_439 : memref<128xi32, #tpu.memory_space<hbm>>) target(%arg10 : memref<128xi32, #tpu.memory_space<vmem>>) target_semaphore(%arg19 : memref<!tpu.dma_semaphore, #tpu.memory_space<semaphore_mem>>)
      } else {
      }
      %dma_wait3A_412 = arith.constant 0 : i32
      %dma_wait3A_413 = arith.constant 0 : i32
      %dma_wait3A_414 = tpu.memref_slice %arg17[%dma_wait3A_412, %dma_wait3A_413] : memref<10000x128xbf16, #tpu.memory_space<vmem_shared>> -> memref<10000x128xbf16, #tpu.memory_space<vmem_shared>>
      tpu.wait_indirect_dma semaphore(%arg24 : memref<!tpu.dma_semaphore, #tpu.memory_space<semaphore_mem>>) src(%arg16 : memref<128x128xbf16, #tpu.memory_space<vmem>>) dst(%dma_wait3A_414 : memref<10000x128xbf16, #tpu.memory_space<vmem_shared>>)
      %add3A_415 = arith.constant 3 : i32
      %add3A_416 = arith.addi %mul3A_306, %add3A_415 : i32
      %add3A_417 = arith.constant 2 : i32
      %add3A_418 = arith.addi %add3A_416, %add3A_417 : i32
      %lt3A_419 = arith.constant 78 : i32
      %lt3A_420 = arith.cmpi slt, %add3A_418, %lt3A_419 : i32
      %convert_element_type3A_421 = arith.extui %lt3A_420 : i1 to i32
      %cond3A_422 = arith.constant 0 : i32
      %cond3A_423 = arith.cmpi ne, %convert_element_type3A_421, %cond3A_422 : i32
      scf.if %cond3A_423 {
        %mul3A_424 = arith.constant 128 : i32
        %mul3A_425 = arith.muli %add3A_418, %mul3A_424 : i32
        %add3A_426 = arith.addi %mul3A_2, %mul3A_425 : i32
        %dma_start3A_427 = arith.constant 0 : i32
        %dma_start3A_428 = tpu.memref_slice %arg3[%dma_start3A_427, %add3A_426] : memref<2x320000xi32, #tpu.memory_space<hbm>> -> memref<1x128xi32, #tpu.memory_space<hbm>>
        %dma_start3A_429 = tpu.memref_squeeze %dma_start3A_428 : memref<1x128xi32, #tpu.memory_space<hbm>> -> memref<128xi32, #tpu.memory_space<hbm>>
        %dma_start3A_430 = tpu.memref_slice %arg3[%dma_start3A_427, %add3A_426] : memref<2x320000xi32, #tpu.memory_space<hbm>> -> memref<1x128xi32, #tpu.memory_space<hbm>>
        %dma_start3A_431 = tpu.memref_squeeze %dma_start3A_430 : memref<1x128xi32, #tpu.memory_space<hbm>> -> memref<128xi32, #tpu.memory_space<hbm>>
        tpu.enqueue_dma source(%dma_start3A_431 : memref<128xi32, #tpu.memory_space<hbm>>) target(%arg8 : memref<128xi32, #tpu.memory_space<vmem>>) target_semaphore(%arg20 : memref<!tpu.dma_semaphore, #tpu.memory_space<semaphore_mem>>)
        %mul3A_432 = arith.constant 128 : i32
        %mul3A_433 = arith.muli %add3A_418, %mul3A_432 : i32
        %add3A_434 = arith.addi %mul3A_2, %mul3A_433 : i32
        %dma_start3A_435 = arith.constant 1 : i32
        %dma_start3A_436 = tpu.memref_slice %arg3[%dma_start3A_435, %add3A_434] : memref<2x320000xi32, #tpu.memory_space<hbm>> -> memref<1x128xi32, #tpu.memory_space<hbm>>
        %dma_start3A_437 = tpu.memref_squeeze %dma_start3A_436 : memref<1x128xi32, #tpu.memory_space<hbm>> -> memref<128xi32, #tpu.memory_space<hbm>>
        %dma_start3A_438 = tpu.memref_slice %arg3[%dma_start3A_435, %add3A_434] : memref<2x320000xi32, #tpu.memory_space<hbm>> -> memref<1x128xi32, #tpu.memory_space<hbm>>
        %dma_start3A_439 = tpu.memref_squeeze %dma_start3A_438 : memref<1x128xi32, #tpu.memory_space<hbm>> -> memref<128xi32, #tpu.memory_space<hbm>>
        tpu.enqueue_dma source(%dma_start3A_439 : memref<128xi32, #tpu.memory_space<hbm>>) target(%arg11 : memref<128xi32, #tpu.memory_space<vmem>>) target_semaphore(%arg20 : memref<!tpu.dma_semaphore, #tpu.memory_space<semaphore_mem>>)
      } else {
      }
    }
    %scan3A_157 = arith.constant 26 : i32
    %add3A_158 = arith.constant 9984 : i32
    %add3A_159 = arith.addi %mul3A_2, %add3A_158 : i32
    %dma_start3A_160 = arith.constant 0 : i32
    %dma_start3A_161 = tpu.memref_slice %arg3[%dma_start3A_160, %add3A_159] : memref<2x320000xi32, #tpu.memory_space<hbm>> -> memref<1x16xi32, #tpu.memory_space<hbm>>
    %dma_start3A_162 = tpu.memref_squeeze %dma_start3A_161 : memref<1x16xi32, #tpu.memory_space<hbm>> -> memref<16xi32, #tpu.memory_space<hbm>>
    %dma_start3A_163 = tpu.memref_slice %arg3[%dma_start3A_160, %add3A_159] : memref<2x320000xi32, #tpu.memory_space<hbm>> -> memref<1x16xi32, #tpu.memory_space<hbm>>
    %dma_start3A_164 = tpu.memref_squeeze %dma_start3A_163 : memref<1x16xi32, #tpu.memory_space<hbm>> -> memref<16xi32, #tpu.memory_space<hbm>>
    tpu.enqueue_dma source(%dma_start3A_164 : memref<16xi32, #tpu.memory_space<hbm>>) target(%arg12 : memref<16xi32, #tpu.memory_space<vmem>>) target_semaphore(%arg18 : memref<!tpu.dma_semaphore, #tpu.memory_space<semaphore_mem>>)
    %dma_start3A_165 = arith.constant 1 : i32
    %dma_start3A_166 = tpu.memref_slice %arg3[%dma_start3A_165, %add3A_159] : memref<2x320000xi32, #tpu.memory_space<hbm>> -> memref<1x16xi32, #tpu.memory_space<hbm>>
    %dma_start3A_167 = tpu.memref_squeeze %dma_start3A_166 : memref<1x16xi32, #tpu.memory_space<hbm>> -> memref<16xi32, #tpu.memory_space<hbm>>
    %dma_start3A_168 = tpu.memref_slice %arg3[%dma_start3A_165, %add3A_159] : memref<2x320000xi32, #tpu.memory_space<hbm>> -> memref<1x16xi32, #tpu.memory_space<hbm>>
    %dma_start3A_169 = tpu.memref_squeeze %dma_start3A_168 : memref<1x16xi32, #tpu.memory_space<hbm>> -> memref<16xi32, #tpu.memory_space<hbm>>
    tpu.enqueue_dma source(%dma_start3A_169 : memref<16xi32, #tpu.memory_space<hbm>>) target(%arg13 : memref<16xi32, #tpu.memory_space<vmem>>) target_semaphore(%arg18 : memref<!tpu.dma_semaphore, #tpu.memory_space<semaphore_mem>>)
    %dma_wait3A = arith.constant 0 : i32
    %dma_wait3A_170 = tpu.memref_slice %arg3[%dma_wait3A, %add3A_159] : memref<2x320000xi32, #tpu.memory_space<hbm>> -> memref<1x16xi32, #tpu.memory_space<hbm>>
    %dma_wait3A_171 = tpu.memref_squeeze %dma_wait3A_170 : memref<1x16xi32, #tpu.memory_space<hbm>> -> memref<16xi32, #tpu.memory_space<hbm>>
    %dma_wait3A_172 = tpu.memref_slice %arg3[%dma_wait3A, %add3A_159] : memref<2x320000xi32, #tpu.memory_space<hbm>> -> memref<1x16xi32, #tpu.memory_space<hbm>>
    %dma_wait3A_173 = tpu.memref_squeeze %dma_wait3A_172 : memref<1x16xi32, #tpu.memory_space<hbm>> -> memref<16xi32, #tpu.memory_space<hbm>>
    tpu.wait_dma2 semaphore(%arg18 : memref<!tpu.dma_semaphore, #tpu.memory_space<semaphore_mem>>) src(%dma_wait3A_173 : memref<16xi32, #tpu.memory_space<hbm>>) dst(%arg12 : memref<16xi32, #tpu.memory_space<vmem>>)
    %dma_wait3A_174 = arith.constant 1 : i32
    %dma_wait3A_175 = tpu.memref_slice %arg3[%dma_wait3A_174, %add3A_159] : memref<2x320000xi32, #tpu.memory_space<hbm>> -> memref<1x16xi32, #tpu.memory_space<hbm>>
    %dma_wait3A_176 = tpu.memref_squeeze %dma_wait3A_175 : memref<1x16xi32, #tpu.memory_space<hbm>> -> memref<16xi32, #tpu.memory_space<hbm>>
    %dma_wait3A_177 = tpu.memref_slice %arg3[%dma_wait3A_174, %add3A_159] : memref<2x320000xi32, #tpu.memory_space<hbm>> -> memref<1x16xi32, #tpu.memory_space<hbm>>
    %dma_wait3A_178 = tpu.memref_squeeze %dma_wait3A_177 : memref<1x16xi32, #tpu.memory_space<hbm>> -> memref<16xi32, #tpu.memory_space<hbm>>
    tpu.wait_dma2 semaphore(%arg18 : memref<!tpu.dma_semaphore, #tpu.memory_space<semaphore_mem>>) src(%dma_wait3A_178 : memref<16xi32, #tpu.memory_space<hbm>>) dst(%arg13 : memref<16xi32, #tpu.memory_space<vmem>>)
    %dma_start3A_179 = arith.constant 0 : i32
    %dma_start3A_180 = arith.constant 0 : i32
    %dma_start3A_181 = tpu.memref_slice %arg14[%dma_start3A_179, %dma_start3A_180] : memref<128x128xbf16, #tpu.memory_space<vmem>> -> memref<16x128xbf16, #tpu.memory_space<vmem>>
    %dma_start3A_182 = arith.constant 0 : i32
    %dma_start3A_183 = arith.constant 0 : i32
    %dma_start3A_184 = tpu.memref_slice %arg2[%dma_start3A_182, %dma_start3A_183] : memref<10000x128xbf16, #tpu.memory_space<hbm>> -> memref<10000x128xbf16, #tpu.memory_space<hbm>>
    tpu.enqueue_indirect_dma source(%dma_start3A_184 : memref<10000x128xbf16, #tpu.memory_space<hbm>>) target(%dma_start3A_181 : memref<16x128xbf16, #tpu.memory_space<vmem>>) offsets(%arg12 : memref<16xi32, #tpu.memory_space<vmem>>) semaphore(%arg21 : memref<!tpu.dma_semaphore, #tpu.memory_space<semaphore_mem>>)
    %dma_wait3A_185 = arith.constant 0 : i32
    %dma_wait3A_186 = arith.constant 0 : i32
    %dma_wait3A_187 = tpu.memref_slice %arg14[%dma_wait3A_185, %dma_wait3A_186] : memref<128x128xbf16, #tpu.memory_space<vmem>> -> memref<16x128xbf16, #tpu.memory_space<vmem>>
    %dma_wait3A_188 = arith.constant 0 : i32
    %dma_wait3A_189 = arith.constant 0 : i32
    %dma_wait3A_190 = tpu.memref_slice %arg2[%dma_wait3A_188, %dma_wait3A_189] : memref<10000x128xbf16, #tpu.memory_space<hbm>> -> memref<10000x128xbf16, #tpu.memory_space<hbm>>
    tpu.wait_indirect_dma semaphore(%arg21 : memref<!tpu.dma_semaphore, #tpu.memory_space<semaphore_mem>>) src(%dma_wait3A_190 : memref<10000x128xbf16, #tpu.memory_space<hbm>>) dst(%dma_wait3A_187 : memref<16x128xbf16, #tpu.memory_space<vmem>>)
    "tpu.region"() ({
      %run_scoped3A = tpu.sem_alloc : memref<!tpu.dma_semaphore, #tpu.memory_space<semaphore_mem>>
      %dma_start3A_304 = arith.constant 0 : i32
      %dma_start3A_305 = arith.constant 0 : i32
      %dma_start3A_306 = tpu.memref_slice %arg14[%dma_start3A_304, %dma_start3A_305] : memref<128x128xbf16, #tpu.memory_space<vmem>> -> memref<16x128xbf16, #tpu.memory_space<vmem>>
      %dma_start3A_307 = arith.constant 0 : i32
      %dma_start3A_308 = arith.constant 0 : i32
      %dma_start3A_309 = tpu.memref_slice %arg17[%dma_start3A_307, %dma_start3A_308] : memref<10000x128xbf16, #tpu.memory_space<vmem_shared>> -> memref<10000x128xbf16, #tpu.memory_space<vmem_shared>>
      tpu.enqueue_indirect_dma source(%dma_start3A_306 : memref<16x128xbf16, #tpu.memory_space<vmem>>) target(%dma_start3A_309 : memref<10000x128xbf16, #tpu.memory_space<vmem_shared>>) offsets(%arg13 : memref<16xi32, #tpu.memory_space<vmem>>) semaphore(%run_scoped3A : memref<!tpu.dma_semaphore, #tpu.memory_space<semaphore_mem>>) {add = true}
      %dma_wait3A_310 = arith.constant 0 : i32
      %dma_wait3A_311 = arith.constant 0 : i32
      %dma_wait3A_312 = tpu.memref_slice %arg14[%dma_wait3A_310, %dma_wait3A_311] : memref<128x128xbf16, #tpu.memory_space<vmem>> -> memref<16x128xbf16, #tpu.memory_space<vmem>>
      %dma_wait3A_313 = arith.constant 0 : i32
      %dma_wait3A_314 = arith.constant 0 : i32
      %dma_wait3A_315 = tpu.memref_slice %arg17[%dma_wait3A_313, %dma_wait3A_314] : memref<10000x128xbf16, #tpu.memory_space<vmem_shared>> -> memref<10000x128xbf16, #tpu.memory_space<vmem_shared>>
      tpu.wait_indirect_dma semaphore(%run_scoped3A : memref<!tpu.dma_semaphore, #tpu.memory_space<semaphore_mem>>) src(%dma_wait3A_312 : memref<16x128xbf16, #tpu.memory_space<vmem>>) dst(%dma_wait3A_315 : memref<10000x128xbf16, #tpu.memory_space<vmem_shared>>)
      tpu.yield
    }) : () -> ()
    %barrier3A_191 = arith.constant 0 : index
    tpu.barrier barrier_id(%barrier3A_191)
    %add3A_192 = arith.constant 0 : i32
    %add3A_193 = arith.addi %arg1, %add3A_192 : i32
    %lt3A_194 = arith.constant 125 : i32
    %lt3A_195 = arith.cmpi slt, %add3A_193, %lt3A_194 : i32
    %convert_element_type3A_196 = arith.extui %lt3A_195 : i1 to i32
    %cond3A_197 = arith.constant 0 : i32
    %cond3A_198 = arith.cmpi ne, %convert_element_type3A_196, %cond3A_197 : i32
    scf.if %cond3A_198 {
      %mul3A_304 = arith.constant 80 : i32
      %mul3A_305 = arith.muli %add3A_193, %mul3A_304 : i32
      %mul3A_306 = arith.constant 80 : i32
      %mul3A_307 = arith.muli %add3A_193, %mul3A_306 : i32
      %dma_start3A_308 = arith.constant 0 : i32
      %dma_start3A_309 = tpu.memref_slice %arg5[%arg0, %mul3A_307, %dma_start3A_308] : memref<2x10000x128xbf16, #tpu.memory_space<hbm>> -> memref<1x80x128xbf16, #tpu.memory_space<hbm>>
      %dma_start3A_310 = tpu.memref_squeeze %dma_start3A_309 : memref<1x80x128xbf16, #tpu.memory_space<hbm>> -> memref<80x128xbf16, #tpu.memory_space<hbm>>
      %dma_start3A_311 = arith.constant 0 : i32
      %dma_start3A_312 = tpu.memref_slice %arg17[%mul3A_305, %dma_start3A_311] : memref<10000x128xbf16, #tpu.memory_space<vmem_shared>> -> memref<80x128xbf16, #tpu.memory_space<vmem_shared>>
      tpu.enqueue_dma source(%dma_start3A_312 : memref<80x128xbf16, #tpu.memory_space<vmem_shared>>) target(%dma_start3A_310 : memref<80x128xbf16, #tpu.memory_space<hbm>>) target_semaphore(%arg24 : memref<!tpu.dma_semaphore, #tpu.memory_space<semaphore_mem>>)
    } else {
    }
    %add3A_199 = arith.constant 16 : i32
    %add3A_200 = arith.addi %arg1, %add3A_199 : i32
    %lt3A_201 = arith.constant 125 : i32
    %lt3A_202 = arith.cmpi slt, %add3A_200, %lt3A_201 : i32
    %convert_element_type3A_203 = arith.extui %lt3A_202 : i1 to i32
    %cond3A_204 = arith.constant 0 : i32
    %cond3A_205 = arith.cmpi ne, %convert_element_type3A_203, %cond3A_204 : i32
    scf.if %cond3A_205 {
      %mul3A_304 = arith.constant 80 : i32
      %mul3A_305 = arith.muli %add3A_200, %mul3A_304 : i32
      %mul3A_306 = arith.constant 80 : i32
      %mul3A_307 = arith.muli %add3A_200, %mul3A_306 : i32
      %dma_start3A_308 = arith.constant 0 : i32
      %dma_start3A_309 = tpu.memref_slice %arg5[%arg0, %mul3A_307, %dma_start3A_308] : memref<2x10000x128xbf16, #tpu.memory_space<hbm>> -> memref<1x80x128xbf16, #tpu.memory_space<hbm>>
      %dma_start3A_310 = tpu.memref_squeeze %dma_start3A_309 : memref<1x80x128xbf16, #tpu.memory_space<hbm>> -> memref<80x128xbf16, #tpu.memory_space<hbm>>
      %dma_start3A_311 = arith.constant 0 : i32
      %dma_start3A_312 = tpu.memref_slice %arg17[%mul3A_305, %dma_start3A_311] : memref<10000x128xbf16, #tpu.memory_space<vmem_shared>> -> memref<80x128xbf16, #tpu.memory_space<vmem_shared>>
      tpu.enqueue_dma source(%dma_start3A_312 : memref<80x128xbf16, #tpu.memory_space<vmem_shared>>) target(%dma_start3A_310 : memref<80x128xbf16, #tpu.memory_space<hbm>>) target_semaphore(%arg24 : memref<!tpu.dma_semaphore, #tpu.memory_space<semaphore_mem>>)
    } else {
    }
    %add3A_206 = arith.constant 32 : i32
    %add3A_207 = arith.addi %arg1, %add3A_206 : i32
    %lt3A_208 = arith.constant 125 : i32
    %lt3A_209 = arith.cmpi slt, %add3A_207, %lt3A_208 : i32
    %convert_element_type3A_210 = arith.extui %lt3A_209 : i1 to i32
    %cond3A_211 = arith.constant 0 : i32
    %cond3A_212 = arith.cmpi ne, %convert_element_type3A_210, %cond3A_211 : i32
    scf.if %cond3A_212 {
      %mul3A_304 = arith.constant 80 : i32
      %mul3A_305 = arith.muli %add3A_207, %mul3A_304 : i32
      %mul3A_306 = arith.constant 80 : i32
      %mul3A_307 = arith.muli %add3A_207, %mul3A_306 : i32
      %dma_start3A_308 = arith.constant 0 : i32
      %dma_start3A_309 = tpu.memref_slice %arg5[%arg0, %mul3A_307, %dma_start3A_308] : memref<2x10000x128xbf16, #tpu.memory_space<hbm>> -> memref<1x80x128xbf16, #tpu.memory_space<hbm>>
      %dma_start3A_310 = tpu.memref_squeeze %dma_start3A_309 : memref<1x80x128xbf16, #tpu.memory_space<hbm>> -> memref<80x128xbf16, #tpu.memory_space<hbm>>
      %dma_start3A_311 = arith.constant 0 : i32
      %dma_start3A_312 = tpu.memref_slice %arg17[%mul3A_305, %dma_start3A_311] : memref<10000x128xbf16, #tpu.memory_space<vmem_shared>> -> memref<80x128xbf16, #tpu.memory_space<vmem_shared>>
      tpu.enqueue_dma source(%dma_start3A_312 : memref<80x128xbf16, #tpu.memory_space<vmem_shared>>) target(%dma_start3A_310 : memref<80x128xbf16, #tpu.memory_space<hbm>>) target_semaphore(%arg24 : memref<!tpu.dma_semaphore, #tpu.memory_space<semaphore_mem>>)
    } else {
    }
    %add3A_213 = arith.constant 48 : i32
    %add3A_214 = arith.addi %arg1, %add3A_213 : i32
    %lt3A_215 = arith.constant 125 : i32
    %lt3A_216 = arith.cmpi slt, %add3A_214, %lt3A_215 : i32
    %convert_element_type3A_217 = arith.extui %lt3A_216 : i1 to i32
    %cond3A_218 = arith.constant 0 : i32
    %cond3A_219 = arith.cmpi ne, %convert_element_type3A_217, %cond3A_218 : i32
    scf.if %cond3A_219 {
      %mul3A_304 = arith.constant 80 : i32
      %mul3A_305 = arith.muli %add3A_214, %mul3A_304 : i32
      %mul3A_306 = arith.constant 80 : i32
      %mul3A_307 = arith.muli %add3A_214, %mul3A_306 : i32
      %dma_start3A_308 = arith.constant 0 : i32
      %dma_start3A_309 = tpu.memref_slice %arg5[%arg0, %mul3A_307, %dma_start3A_308] : memref<2x10000x128xbf16, #tpu.memory_space<hbm>> -> memref<1x80x128xbf16, #tpu.memory_space<hbm>>
      %dma_start3A_310 = tpu.memref_squeeze %dma_start3A_309 : memref<1x80x128xbf16, #tpu.memory_space<hbm>> -> memref<80x128xbf16, #tpu.memory_space<hbm>>
      %dma_start3A_311 = arith.constant 0 : i32
      %dma_start3A_312 = tpu.memref_slice %arg17[%mul3A_305, %dma_start3A_311] : memref<10000x128xbf16, #tpu.memory_space<vmem_shared>> -> memref<80x128xbf16, #tpu.memory_space<vmem_shared>>
      tpu.enqueue_dma source(%dma_start3A_312 : memref<80x128xbf16, #tpu.memory_space<vmem_shared>>) target(%dma_start3A_310 : memref<80x128xbf16, #tpu.memory_space<hbm>>) target_semaphore(%arg24 : memref<!tpu.dma_semaphore, #tpu.memory_space<semaphore_mem>>)
    } else {
    }
    %add3A_220 = arith.constant 64 : i32
    %add3A_221 = arith.addi %arg1, %add3A_220 : i32
    %lt3A_222 = arith.constant 125 : i32
    %lt3A_223 = arith.cmpi slt, %add3A_221, %lt3A_222 : i32
    %convert_element_type3A_224 = arith.extui %lt3A_223 : i1 to i32
    %cond3A_225 = arith.constant 0 : i32
    %cond3A_226 = arith.cmpi ne, %convert_element_type3A_224, %cond3A_225 : i32
    scf.if %cond3A_226 {
      %mul3A_304 = arith.constant 80 : i32
      %mul3A_305 = arith.muli %add3A_221, %mul3A_304 : i32
      %mul3A_306 = arith.constant 80 : i32
      %mul3A_307 = arith.muli %add3A_221, %mul3A_306 : i32
      %dma_start3A_308 = arith.constant 0 : i32
      %dma_start3A_309 = tpu.memref_slice %arg5[%arg0, %mul3A_307, %dma_start3A_308] : memref<2x10000x128xbf16, #tpu.memory_space<hbm>> -> memref<1x80x128xbf16, #tpu.memory_space<hbm>>
      %dma_start3A_310 = tpu.memref_squeeze %dma_start3A_309 : memref<1x80x128xbf16, #tpu.memory_space<hbm>> -> memref<80x128xbf16, #tpu.memory_space<hbm>>
      %dma_start3A_311 = arith.constant 0 : i32
      %dma_start3A_312 = tpu.memref_slice %arg17[%mul3A_305, %dma_start3A_311] : memref<10000x128xbf16, #tpu.memory_space<vmem_shared>> -> memref<80x128xbf16, #tpu.memory_space<vmem_shared>>
      tpu.enqueue_dma source(%dma_start3A_312 : memref<80x128xbf16, #tpu.memory_space<vmem_shared>>) target(%dma_start3A_310 : memref<80x128xbf16, #tpu.memory_space<hbm>>) target_semaphore(%arg24 : memref<!tpu.dma_semaphore, #tpu.memory_space<semaphore_mem>>)
    } else {
    }
    %add3A_227 = arith.constant 80 : i32
    %add3A_228 = arith.addi %arg1, %add3A_227 : i32
    %lt3A_229 = arith.constant 125 : i32
    %lt3A_230 = arith.cmpi slt, %add3A_228, %lt3A_229 : i32
    %convert_element_type3A_231 = arith.extui %lt3A_230 : i1 to i32
    %cond3A_232 = arith.constant 0 : i32
    %cond3A_233 = arith.cmpi ne, %convert_element_type3A_231, %cond3A_232 : i32
    scf.if %cond3A_233 {
      %mul3A_304 = arith.constant 80 : i32
      %mul3A_305 = arith.muli %add3A_228, %mul3A_304 : i32
      %mul3A_306 = arith.constant 80 : i32
      %mul3A_307 = arith.muli %add3A_228, %mul3A_306 : i32
      %dma_start3A_308 = arith.constant 0 : i32
      %dma_start3A_309 = tpu.memref_slice %arg5[%arg0, %mul3A_307, %dma_start3A_308] : memref<2x10000x128xbf16, #tpu.memory_space<hbm>> -> memref<1x80x128xbf16, #tpu.memory_space<hbm>>
      %dma_start3A_310 = tpu.memref_squeeze %dma_start3A_309 : memref<1x80x128xbf16, #tpu.memory_space<hbm>> -> memref<80x128xbf16, #tpu.memory_space<hbm>>
      %dma_start3A_311 = arith.constant 0 : i32
      %dma_start3A_312 = tpu.memref_slice %arg17[%mul3A_305, %dma_start3A_311] : memref<10000x128xbf16, #tpu.memory_space<vmem_shared>> -> memref<80x128xbf16, #tpu.memory_space<vmem_shared>>
      tpu.enqueue_dma source(%dma_start3A_312 : memref<80x128xbf16, #tpu.memory_space<vmem_shared>>) target(%dma_start3A_310 : memref<80x128xbf16, #tpu.memory_space<hbm>>) target_semaphore(%arg24 : memref<!tpu.dma_semaphore, #tpu.memory_space<semaphore_mem>>)
    } else {
    }
    %add3A_234 = arith.constant 96 : i32
    %add3A_235 = arith.addi %arg1, %add3A_234 : i32
    %lt3A_236 = arith.constant 125 : i32
    %lt3A_237 = arith.cmpi slt, %add3A_235, %lt3A_236 : i32
    %convert_element_type3A_238 = arith.extui %lt3A_237 : i1 to i32
    %cond3A_239 = arith.constant 0 : i32
    %cond3A_240 = arith.cmpi ne, %convert_element_type3A_238, %cond3A_239 : i32
    scf.if %cond3A_240 {
      %mul3A_304 = arith.constant 80 : i32
      %mul3A_305 = arith.muli %add3A_235, %mul3A_304 : i32
      %mul3A_306 = arith.constant 80 : i32
      %mul3A_307 = arith.muli %add3A_235, %mul3A_306 : i32
      %dma_start3A_308 = arith.constant 0 : i32
      %dma_start3A_309 = tpu.memref_slice %arg5[%arg0, %mul3A_307, %dma_start3A_308] : memref<2x10000x128xbf16, #tpu.memory_space<hbm>> -> memref<1x80x128xbf16, #tpu.memory_space<hbm>>
      %dma_start3A_310 = tpu.memref_squeeze %dma_start3A_309 : memref<1x80x128xbf16, #tpu.memory_space<hbm>> -> memref<80x128xbf16, #tpu.memory_space<hbm>>
      %dma_start3A_311 = arith.constant 0 : i32
      %dma_start3A_312 = tpu.memref_slice %arg17[%mul3A_305, %dma_start3A_311] : memref<10000x128xbf16, #tpu.memory_space<vmem_shared>> -> memref<80x128xbf16, #tpu.memory_space<vmem_shared>>
      tpu.enqueue_dma source(%dma_start3A_312 : memref<80x128xbf16, #tpu.memory_space<vmem_shared>>) target(%dma_start3A_310 : memref<80x128xbf16, #tpu.memory_space<hbm>>) target_semaphore(%arg24 : memref<!tpu.dma_semaphore, #tpu.memory_space<semaphore_mem>>)
    } else {
    }
    %add3A_241 = arith.constant 112 : i32
    %add3A_242 = arith.addi %arg1, %add3A_241 : i32
    %lt3A_243 = arith.constant 125 : i32
    %lt3A_244 = arith.cmpi slt, %add3A_242, %lt3A_243 : i32
    %convert_element_type3A_245 = arith.extui %lt3A_244 : i1 to i32
    %cond3A_246 = arith.constant 0 : i32
    %cond3A_247 = arith.cmpi ne, %convert_element_type3A_245, %cond3A_246 : i32
    scf.if %cond3A_247 {
      %mul3A_304 = arith.constant 80 : i32
      %mul3A_305 = arith.muli %add3A_242, %mul3A_304 : i32
      %mul3A_306 = arith.constant 80 : i32
      %mul3A_307 = arith.muli %add3A_242, %mul3A_306 : i32
      %dma_start3A_308 = arith.constant 0 : i32
      %dma_start3A_309 = tpu.memref_slice %arg5[%arg0, %mul3A_307, %dma_start3A_308] : memref<2x10000x128xbf16, #tpu.memory_space<hbm>> -> memref<1x80x128xbf16, #tpu.memory_space<hbm>>
      %dma_start3A_310 = tpu.memref_squeeze %dma_start3A_309 : memref<1x80x128xbf16, #tpu.memory_space<hbm>> -> memref<80x128xbf16, #tpu.memory_space<hbm>>
      %dma_start3A_311 = arith.constant 0 : i32
      %dma_start3A_312 = tpu.memref_slice %arg17[%mul3A_305, %dma_start3A_311] : memref<10000x128xbf16, #tpu.memory_space<vmem_shared>> -> memref<80x128xbf16, #tpu.memory_space<vmem_shared>>
      tpu.enqueue_dma source(%dma_start3A_312 : memref<80x128xbf16, #tpu.memory_space<vmem_shared>>) target(%dma_start3A_310 : memref<80x128xbf16, #tpu.memory_space<hbm>>) target_semaphore(%arg24 : memref<!tpu.dma_semaphore, #tpu.memory_space<semaphore_mem>>)
    } else {
    }
    %add3A_248 = arith.constant 0 : i32
    %add3A_249 = arith.addi %arg1, %add3A_248 : i32
    %lt3A_250 = arith.constant 125 : i32
    %lt3A_251 = arith.cmpi slt, %add3A_249, %lt3A_250 : i32
    %convert_element_type3A_252 = arith.extui %lt3A_251 : i1 to i32
    %cond3A_253 = arith.constant 0 : i32
    %cond3A_254 = arith.cmpi ne, %convert_element_type3A_252, %cond3A_253 : i32
    scf.if %cond3A_254 {
      %mul3A_304 = arith.constant 80 : i32
      %mul3A_305 = arith.muli %add3A_249, %mul3A_304 : i32
      %mul3A_306 = arith.constant 80 : i32
      %mul3A_307 = arith.muli %add3A_249, %mul3A_306 : i32
      %dma_wait3A_308 = arith.constant 0 : i32
      %dma_wait3A_309 = tpu.memref_slice %arg5[%arg0, %mul3A_307, %dma_wait3A_308] : memref<2x10000x128xbf16, #tpu.memory_space<hbm>> -> memref<1x80x128xbf16, #tpu.memory_space<hbm>>
      %dma_wait3A_310 = tpu.memref_squeeze %dma_wait3A_309 : memref<1x80x128xbf16, #tpu.memory_space<hbm>> -> memref<80x128xbf16, #tpu.memory_space<hbm>>
      %dma_wait3A_311 = arith.constant 0 : i32
      %dma_wait3A_312 = tpu.memref_slice %arg17[%mul3A_305, %dma_wait3A_311] : memref<10000x128xbf16, #tpu.memory_space<vmem_shared>> -> memref<80x128xbf16, #tpu.memory_space<vmem_shared>>
      tpu.wait_dma2 semaphore(%arg24 : memref<!tpu.dma_semaphore, #tpu.memory_space<semaphore_mem>>) src(%dma_wait3A_312 : memref<80x128xbf16, #tpu.memory_space<vmem_shared>>) dst(%dma_wait3A_310 : memref<80x128xbf16, #tpu.memory_space<hbm>>)
    } else {
    }
    %add3A_255 = arith.constant 16 : i32
    %add3A_256 = arith.addi %arg1, %add3A_255 : i32
    %lt3A_257 = arith.constant 125 : i32
    %lt3A_258 = arith.cmpi slt, %add3A_256, %lt3A_257 : i32
    %convert_element_type3A_259 = arith.extui %lt3A_258 : i1 to i32
    %cond3A_260 = arith.constant 0 : i32
    %cond3A_261 = arith.cmpi ne, %convert_element_type3A_259, %cond3A_260 : i32
    scf.if %cond3A_261 {
      %mul3A_304 = arith.constant 80 : i32
      %mul3A_305 = arith.muli %add3A_256, %mul3A_304 : i32
      %mul3A_306 = arith.constant 80 : i32
      %mul3A_307 = arith.muli %add3A_256, %mul3A_306 : i32
      %dma_wait3A_308 = arith.constant 0 : i32
      %dma_wait3A_309 = tpu.memref_slice %arg5[%arg0, %mul3A_307, %dma_wait3A_308] : memref<2x10000x128xbf16, #tpu.memory_space<hbm>> -> memref<1x80x128xbf16, #tpu.memory_space<hbm>>
      %dma_wait3A_310 = tpu.memref_squeeze %dma_wait3A_309 : memref<1x80x128xbf16, #tpu.memory_space<hbm>> -> memref<80x128xbf16, #tpu.memory_space<hbm>>
      %dma_wait3A_311 = arith.constant 0 : i32
      %dma_wait3A_312 = tpu.memref_slice %arg17[%mul3A_305, %dma_wait3A_311] : memref<10000x128xbf16, #tpu.memory_space<vmem_shared>> -> memref<80x128xbf16, #tpu.memory_space<vmem_shared>>
      tpu.wait_dma2 semaphore(%arg24 : memref<!tpu.dma_semaphore, #tpu.memory_space<semaphore_mem>>) src(%dma_wait3A_312 : memref<80x128xbf16, #tpu.memory_space<vmem_shared>>) dst(%dma_wait3A_310 : memref<80x128xbf16, #tpu.memory_space<hbm>>)
    } else {
    }
    %add3A_262 = arith.constant 32 : i32
    %add3A_263 = arith.addi %arg1, %add3A_262 : i32
    %lt3A_264 = arith.constant 125 : i32
    %lt3A_265 = arith.cmpi slt, %add3A_263, %lt3A_264 : i32
    %convert_element_type3A_266 = arith.extui %lt3A_265 : i1 to i32
    %cond3A_267 = arith.constant 0 : i32
    %cond3A_268 = arith.cmpi ne, %convert_element_type3A_266, %cond3A_267 : i32
    scf.if %cond3A_268 {
      %mul3A_304 = arith.constant 80 : i32
      %mul3A_305 = arith.muli %add3A_263, %mul3A_304 : i32
      %mul3A_306 = arith.constant 80 : i32
      %mul3A_307 = arith.muli %add3A_263, %mul3A_306 : i32
      %dma_wait3A_308 = arith.constant 0 : i32
      %dma_wait3A_309 = tpu.memref_slice %arg5[%arg0, %mul3A_307, %dma_wait3A_308] : memref<2x10000x128xbf16, #tpu.memory_space<hbm>> -> memref<1x80x128xbf16, #tpu.memory_space<hbm>>
      %dma_wait3A_310 = tpu.memref_squeeze %dma_wait3A_309 : memref<1x80x128xbf16, #tpu.memory_space<hbm>> -> memref<80x128xbf16, #tpu.memory_space<hbm>>
      %dma_wait3A_311 = arith.constant 0 : i32
      %dma_wait3A_312 = tpu.memref_slice %arg17[%mul3A_305, %dma_wait3A_311] : memref<10000x128xbf16, #tpu.memory_space<vmem_shared>> -> memref<80x128xbf16, #tpu.memory_space<vmem_shared>>
      tpu.wait_dma2 semaphore(%arg24 : memref<!tpu.dma_semaphore, #tpu.memory_space<semaphore_mem>>) src(%dma_wait3A_312 : memref<80x128xbf16, #tpu.memory_space<vmem_shared>>) dst(%dma_wait3A_310 : memref<80x128xbf16, #tpu.memory_space<hbm>>)
    } else {
    }
    %add3A_269 = arith.constant 48 : i32
    %add3A_270 = arith.addi %arg1, %add3A_269 : i32
    %lt3A_271 = arith.constant 125 : i32
    %lt3A_272 = arith.cmpi slt, %add3A_270, %lt3A_271 : i32
    %convert_element_type3A_273 = arith.extui %lt3A_272 : i1 to i32
    %cond3A_274 = arith.constant 0 : i32
    %cond3A_275 = arith.cmpi ne, %convert_element_type3A_273, %cond3A_274 : i32
    scf.if %cond3A_275 {
      %mul3A_304 = arith.constant 80 : i32
      %mul3A_305 = arith.muli %add3A_270, %mul3A_304 : i32
      %mul3A_306 = arith.constant 80 : i32
      %mul3A_307 = arith.muli %add3A_270, %mul3A_306 : i32
      %dma_wait3A_308 = arith.constant 0 : i32
      %dma_wait3A_309 = tpu.memref_slice %arg5[%arg0, %mul3A_307, %dma_wait3A_308] : memref<2x10000x128xbf16, #tpu.memory_space<hbm>> -> memref<1x80x128xbf16, #tpu.memory_space<hbm>>
      %dma_wait3A_310 = tpu.memref_squeeze %dma_wait3A_309 : memref<1x80x128xbf16, #tpu.memory_space<hbm>> -> memref<80x128xbf16, #tpu.memory_space<hbm>>
      %dma_wait3A_311 = arith.constant 0 : i32
      %dma_wait3A_312 = tpu.memref_slice %arg17[%mul3A_305, %dma_wait3A_311] : memref<10000x128xbf16, #tpu.memory_space<vmem_shared>> -> memref<80x128xbf16, #tpu.memory_space<vmem_shared>>
      tpu.wait_dma2 semaphore(%arg24 : memref<!tpu.dma_semaphore, #tpu.memory_space<semaphore_mem>>) src(%dma_wait3A_312 : memref<80x128xbf16, #tpu.memory_space<vmem_shared>>) dst(%dma_wait3A_310 : memref<80x128xbf16, #tpu.memory_space<hbm>>)
    } else {
    }
    %add3A_276 = arith.constant 64 : i32
    %add3A_277 = arith.addi %arg1, %add3A_276 : i32
    %lt3A_278 = arith.constant 125 : i32
    %lt3A_279 = arith.cmpi slt, %add3A_277, %lt3A_278 : i32
    %convert_element_type3A_280 = arith.extui %lt3A_279 : i1 to i32
    %cond3A_281 = arith.constant 0 : i32
    %cond3A_282 = arith.cmpi ne, %convert_element_type3A_280, %cond3A_281 : i32
    scf.if %cond3A_282 {
      %mul3A_304 = arith.constant 80 : i32
      %mul3A_305 = arith.muli %add3A_277, %mul3A_304 : i32
      %mul3A_306 = arith.constant 80 : i32
      %mul3A_307 = arith.muli %add3A_277, %mul3A_306 : i32
      %dma_wait3A_308 = arith.constant 0 : i32
      %dma_wait3A_309 = tpu.memref_slice %arg5[%arg0, %mul3A_307, %dma_wait3A_308] : memref<2x10000x128xbf16, #tpu.memory_space<hbm>> -> memref<1x80x128xbf16, #tpu.memory_space<hbm>>
      %dma_wait3A_310 = tpu.memref_squeeze %dma_wait3A_309 : memref<1x80x128xbf16, #tpu.memory_space<hbm>> -> memref<80x128xbf16, #tpu.memory_space<hbm>>
      %dma_wait3A_311 = arith.constant 0 : i32
      %dma_wait3A_312 = tpu.memref_slice %arg17[%mul3A_305, %dma_wait3A_311] : memref<10000x128xbf16, #tpu.memory_space<vmem_shared>> -> memref<80x128xbf16, #tpu.memory_space<vmem_shared>>
      tpu.wait_dma2 semaphore(%arg24 : memref<!tpu.dma_semaphore, #tpu.memory_space<semaphore_mem>>) src(%dma_wait3A_312 : memref<80x128xbf16, #tpu.memory_space<vmem_shared>>) dst(%dma_wait3A_310 : memref<80x128xbf16, #tpu.memory_space<hbm>>)
    } else {
    }
    %add3A_283 = arith.constant 80 : i32
    %add3A_284 = arith.addi %arg1, %add3A_283 : i32
    %lt3A_285 = arith.constant 125 : i32
    %lt3A_286 = arith.cmpi slt, %add3A_284, %lt3A_285 : i32
    %convert_element_type3A_287 = arith.extui %lt3A_286 : i1 to i32
    %cond3A_288 = arith.constant 0 : i32
    %cond3A_289 = arith.cmpi ne, %convert_element_type3A_287, %cond3A_288 : i32
    scf.if %cond3A_289 {
      %mul3A_304 = arith.constant 80 : i32
      %mul3A_305 = arith.muli %add3A_284, %mul3A_304 : i32
      %mul3A_306 = arith.constant 80 : i32
      %mul3A_307 = arith.muli %add3A_284, %mul3A_306 : i32
      %dma_wait3A_308 = arith.constant 0 : i32
      %dma_wait3A_309 = tpu.memref_slice %arg5[%arg0, %mul3A_307, %dma_wait3A_308] : memref<2x10000x128xbf16, #tpu.memory_space<hbm>> -> memref<1x80x128xbf16, #tpu.memory_space<hbm>>
      %dma_wait3A_310 = tpu.memref_squeeze %dma_wait3A_309 : memref<1x80x128xbf16, #tpu.memory_space<hbm>> -> memref<80x128xbf16, #tpu.memory_space<hbm>>
      %dma_wait3A_311 = arith.constant 0 : i32
      %dma_wait3A_312 = tpu.memref_slice %arg17[%mul3A_305, %dma_wait3A_311] : memref<10000x128xbf16, #tpu.memory_space<vmem_shared>> -> memref<80x128xbf16, #tpu.memory_space<vmem_shared>>
      tpu.wait_dma2 semaphore(%arg24 : memref<!tpu.dma_semaphore, #tpu.memory_space<semaphore_mem>>) src(%dma_wait3A_312 : memref<80x128xbf16, #tpu.memory_space<vmem_shared>>) dst(%dma_wait3A_310 : memref<80x128xbf16, #tpu.memory_space<hbm>>)
    } else {
    }
    %add3A_290 = arith.constant 96 : i32
    %add3A_291 = arith.addi %arg1, %add3A_290 : i32
    %lt3A_292 = arith.constant 125 : i32
    %lt3A_293 = arith.cmpi slt, %add3A_291, %lt3A_292 : i32
    %convert_element_type3A_294 = arith.extui %lt3A_293 : i1 to i32
    %cond3A_295 = arith.constant 0 : i32
    %cond3A_296 = arith.cmpi ne, %convert_element_type3A_294, %cond3A_295 : i32
    scf.if %cond3A_296 {
      %mul3A_304 = arith.constant 80 : i32
      %mul3A_305 = arith.muli %add3A_291, %mul3A_304 : i32
      %mul3A_306 = arith.constant 80 : i32
      %mul3A_307 = arith.muli %add3A_291, %mul3A_306 : i32
      %dma_wait3A_308 = arith.constant 0 : i32
      %dma_wait3A_309 = tpu.memref_slice %arg5[%arg0, %mul3A_307, %dma_wait3A_308] : memref<2x10000x128xbf16, #tpu.memory_space<hbm>> -> memref<1x80x128xbf16, #tpu.memory_space<hbm>>
      %dma_wait3A_310 = tpu.memref_squeeze %dma_wait3A_309 : memref<1x80x128xbf16, #tpu.memory_space<hbm>> -> memref<80x128xbf16, #tpu.memory_space<hbm>>
      %dma_wait3A_311 = arith.constant 0 : i32
      %dma_wait3A_312 = tpu.memref_slice %arg17[%mul3A_305, %dma_wait3A_311] : memref<10000x128xbf16, #tpu.memory_space<vmem_shared>> -> memref<80x128xbf16, #tpu.memory_space<vmem_shared>>
      tpu.wait_dma2 semaphore(%arg24 : memref<!tpu.dma_semaphore, #tpu.memory_space<semaphore_mem>>) src(%dma_wait3A_312 : memref<80x128xbf16, #tpu.memory_space<vmem_shared>>) dst(%dma_wait3A_310 : memref<80x128xbf16, #tpu.memory_space<hbm>>)
    } else {
    }
    %add3A_297 = arith.constant 112 : i32
    %add3A_298 = arith.addi %arg1, %add3A_297 : i32
    %lt3A_299 = arith.constant 125 : i32
    %lt3A_300 = arith.cmpi slt, %add3A_298, %lt3A_299 : i32
    %convert_element_type3A_301 = arith.extui %lt3A_300 : i1 to i32
    %cond3A_302 = arith.constant 0 : i32
    %cond3A_303 = arith.cmpi ne, %convert_element_type3A_301, %cond3A_302 : i32
    scf.if %cond3A_303 {
      %mul3A_304 = arith.constant 80 : i32
      %mul3A_305 = arith.muli %add3A_298, %mul3A_304 : i32
      %mul3A_306 = arith.constant 80 : i32
      %mul3A_307 = arith.muli %add3A_298, %mul3A_306 : i32
      %dma_wait3A_308 = arith.constant 0 : i32
      %dma_wait3A_309 = tpu.memref_slice %arg5[%arg0, %mul3A_307, %dma_wait3A_308] : memref<2x10000x128xbf16, #tpu.memory_space<hbm>> -> memref<1x80x128xbf16, #tpu.memory_space<hbm>>
      %dma_wait3A_310 = tpu.memref_squeeze %dma_wait3A_309 : memref<1x80x128xbf16, #tpu.memory_space<hbm>> -> memref<80x128xbf16, #tpu.memory_space<hbm>>
      %dma_wait3A_311 = arith.constant 0 : i32
      %dma_wait3A_312 = tpu.memref_slice %arg17[%mul3A_305, %dma_wait3A_311] : memref<10000x128xbf16, #tpu.memory_space<vmem_shared>> -> memref<80x128xbf16, #tpu.memory_space<vmem_shared>>
      tpu.wait_dma2 semaphore(%arg24 : memref<!tpu.dma_semaphore, #tpu.memory_space<semaphore_mem>>) src(%dma_wait3A_312 : memref<80x128xbf16, #tpu.memory_space<vmem_shared>>) dst(%dma_wait3A_310 : memref<80x128xbf16, #tpu.memory_space<hbm>>)
    } else {
    }
    return
  }
}

module attributes {stable_mosaic.version = 14 : i64} {
  func.func @_matmul_body(%arg0: i32, %arg1: memref<1000x128xf32, #tpu.memory_space<vmem>>, %arg2: memref<128x128xf32, #tpu.memory_space<vmem>>, %arg3: memref<1000x128xbf16, #tpu.memory_space<vmem>>) attributes {dimension_semantics = [#tpu.dimension_semantics<arbitrary>], iteration_bounds = array<i64: 10>, scalar_prefetch = 0 : i64, scratch_operands = 0 : i64, tpu.core_type = #tpu.core_type<tc>, window_params = [{transform_indices = @transform_0, window_bounds = array<i64: 1000, 128>}, {pipeline_mode = #tpu.pipeline_mode<synchronous>, transform_indices = @transform_1, window_bounds = array<i64: 128, 128>}, {transform_indices = @transform_2, window_bounds = array<i64: 1000, 128>}]} {
    %get3A = arith.constant 0 : index
    %get3A_0 = arith.constant 0 : index
    %get3A_1 = vector.load %arg1[%get3A, %get3A_0] : memref<1000x128xf32, #tpu.memory_space<vmem>>, vector<1000x128xf32>
    %get3A_2 = arith.constant 0 : index
    %get3A_3 = arith.constant 0 : index
    %get3A_4 = vector.load %arg2[%get3A_2, %get3A_3] : memref<128x128xf32, #tpu.memory_space<vmem>>, vector<128x128xf32>
    %dot_general3A = arith.constant dense<0.000000e+00> : vector<1000x128xf32>
    %dot_general3A_5 = tpu.matmul %get3A_1, %get3A_4, %dot_general3A {dimension_numbers = #tpu.dot_dimension_numbers<[1], [0], [0], [1], [0, 0, 1, 1], [], []>, transpose_lhs_hint = false} : vector<1000x128xf32>, vector<128x128xf32>, vector<1000x128xf32> -> vector<1000x128xf32>
    %convert_element_type3A = arith.truncf %dot_general3A_5 : vector<1000x128xf32> to vector<1000x128xbf16>
    %swap3A = arith.constant 0 : index
    %swap3A_6 = arith.constant 0 : index
    %swap3A_7 = vector.load %arg3[%swap3A, %swap3A_6] : memref<1000x128xbf16, #tpu.memory_space<vmem>>, vector<1000x128xbf16>
    tpu.vector_store %arg3[%swap3A, %swap3A_6], %convert_element_type3A {strides = array<i32>} : memref<1000x128xbf16, #tpu.memory_space<vmem>>, vector<1000x128xbf16>,
    return
  }
  func.func @transform_0(%arg0: i32) -> (i32, i32) {
    %c0_i32 = arith.constant 0 : i32
    %c0_i32_0 = arith.constant 0 : i32
    return %arg0, %c0_i32 : i32, i32
  }
  func.func @transform_1(%arg0: i32) -> (i32, i32) {
    %c0_i32 = arith.constant 0 : i32
    %c0_i32_0 = arith.constant 0 : i32
    %c0_i32_1 = arith.constant 0 : i32
    return %c0_i32, %c0_i32_0 : i32, i32
  }
  func.func @transform_2(%arg0: i32) -> (i32, i32) {
    %c0_i32 = arith.constant 0 : i32
    %c0_i32_0 = arith.constant 0 : i32
    return %arg0, %c0_i32 : i32, i32
  }
}

module attributes {stable_mosaic.version = 14 : i64} {
  func.func @_bn_body(%arg0: i32, %arg1: i32, %arg2: memref<1x1000x128xbf16, #tpu.memory_space<vmem>>, %arg3: memref<1x1000x128xbf16, #tpu.memory_space<vmem>>, %arg4: memref<1x128xf32, #tpu.memory_space<vmem>>, %arg5: memref<1x128xf32, #tpu.memory_space<vmem>>, %arg6: memref<1x128xf32, #tpu.memory_space<vmem>>, %arg7: memref<1000x128xf32, #tpu.memory_space<vmem>>, %arg8: memref<10x1000x128xf32, #tpu.memory_space<vmem>>, %arg9: memref<8x128xf32, #tpu.memory_space<vmem>>) attributes {dimension_semantics = [#tpu.dimension_semantics<arbitrary>, #tpu.dimension_semantics<arbitrary>], iteration_bounds = array<i64: 2, 10>, scalar_prefetch = 0 : i64, scratch_operands = 2 : i64, tpu.core_type = #tpu.core_type<tc>, window_params = [{transform_indices = @transform_0, window_bounds = array<i64: 1, 1000, 128>}, {transform_indices = @transform_1, window_bounds = array<i64: 1, 1000, 128>}, {pipeline_mode = #tpu.pipeline_mode<synchronous>, transform_indices = @transform_2, window_bounds = array<i64: 1, 128>}, {pipeline_mode = #tpu.pipeline_mode<synchronous>, transform_indices = @transform_3, window_bounds = array<i64: 1, 128>}, {pipeline_mode = #tpu.pipeline_mode<synchronous>, transform_indices = @transform_4, window_bounds = array<i64: 1, 128>}, {transform_indices = @transform_5, window_bounds = array<i64: 1000, 128>}]} {
    %eq3A = arith.constant 0 : i32
    %eq3A_0 = arith.cmpi eq, %arg0, %eq3A : i32
    %convert_element_type3A = arith.extui %eq3A_0 : i1 to i32
    %cond3A = arith.constant 0 : i32
    %cond3A_1 = arith.cmpi ne, %convert_element_type3A, %cond3A : i32
    scf.if %cond3A_1 {
      %get3A = arith.constant 0 : index
      %get3A_7 = arith.constant 0 : index
      %get3A_8 = arith.constant 0 : index
      %get3A_9 = vector.load %arg2[%get3A, %get3A_7, %get3A_8] : memref<1x1000x128xbf16, #tpu.memory_space<vmem>>, vector<1x1000x128xbf16>
      %get3A_10 = vector.shape_cast %get3A_9 : vector<1x1000x128xbf16> to vector<1000x128xbf16>
      %convert_element_type3A_11 = arith.extf %get3A_10 : vector<1000x128xbf16> to vector<1000x128xf32>
      %get3A_12 = arith.constant 0 : index
      %get3A_13 = arith.constant 0 : index
      %get3A_14 = arith.constant 0 : index
      %get3A_15 = vector.load %arg3[%get3A_12, %get3A_13, %get3A_14] : memref<1x1000x128xbf16, #tpu.memory_space<vmem>>, vector<1x1000x128xbf16>
      %get3A_16 = vector.shape_cast %get3A_15 : vector<1x1000x128xbf16> to vector<1000x128xbf16>
      %convert_element_type3A_17 = arith.extf %get3A_16 : vector<1000x128xbf16> to vector<1000x128xf32>
      %add3A = arith.addf %convert_element_type3A_11, %convert_element_type3A_17 : vector<1000x128xf32>
      %get3A_18 = arith.constant 0 : index
      %get3A_19 = arith.constant 0 : index
      %get3A_20 = vector.load %arg4[%get3A_18, %get3A_19] : memref<1x128xf32, #tpu.memory_space<vmem>>, vector<1x128xf32>
      %add3A_21 = vector.broadcast %get3A_20 : vector<1x128xf32> to vector<1000x128xf32>
      %add3A_22 = arith.addf %add3A, %add3A_21 : vector<1000x128xf32>
      %swap3A = arith.index_cast %arg1 : i32 to index
      %swap3A_23 = arith.constant 0 : index
      %swap3A_24 = arith.constant 0 : index
      %swap3A_25 = vector.load %arg8[%swap3A, %swap3A_23, %swap3A_24] : memref<10x1000x128xf32, #tpu.memory_space<vmem>>, vector<1x1000x128xf32>
      %swap3A_26 = vector.shape_cast %swap3A_25 : vector<1x1000x128xf32> to vector<1000x128xf32>
      %swap3A_27 = vector.shape_cast %add3A_22 : vector<1000x128xf32> to vector<1x1000x128xf32>
      tpu.vector_store %arg8[%swap3A, %swap3A_23, %swap3A_24], %swap3A_27 {strides = array<i32>} : memref<10x1000x128xf32, #tpu.memory_space<vmem>>, vector<1x1000x128xf32>,
      %eq3A_28 = arith.constant 0 : i32
      %eq3A_29 = arith.cmpi eq, %arg1, %eq3A_28 : i32
      %convert_element_type3A_30 = arith.extui %eq3A_29 : i1 to i32
      %cond3A_31 = arith.constant 0 : i32
      %cond3A_32 = arith.cmpi ne, %convert_element_type3A_30, %cond3A_31 : i32
      scf.if %cond3A_32 {
        %broadcast_in_dim3A = arith.constant 0.000000e+00 : f32
        %broadcast_in_dim3A_56 = vector.broadcast %broadcast_in_dim3A : f32 to vector<8x128xf32>
        %swap3A_57 = arith.constant 0 : index
        %swap3A_58 = arith.constant 0 : index
        %swap3A_59 = vector.load %arg9[%swap3A_57, %swap3A_58] : memref<8x128xf32, #tpu.memory_space<vmem>>, vector<8x128xf32>
        tpu.vector_store %arg9[%swap3A_57, %swap3A_58], %broadcast_in_dim3A_56 {strides = array<i32>} : memref<8x128xf32, #tpu.memory_space<vmem>>, vector<8x128xf32>,
      } else {
      }
      %get3A_33 = arith.constant 0 : index
      %get3A_34 = arith.constant 0 : index
      %get3A_35 = vector.load %arg9[%get3A_33, %get3A_34] : memref<8x128xf32, #tpu.memory_space<vmem>>, vector<1x128xf32>
      %get3A_36 = vector.shape_cast %get3A_35 : vector<1x128xf32> to vector<128xf32>
      %reduce_sum3A = arith.constant dense<0.000000e+00> : vector<128xf32>
      %reduce_sum3A_37 = vector.multi_reduction <add>, %add3A_22, %reduce_sum3A [0] : vector<1000x128xf32> to vector<128xf32>
      %add3A_38 = arith.addf %get3A_36, %reduce_sum3A_37 : vector<128xf32>
      %swap3A_39 = arith.constant 0 : index
      %swap3A_40 = arith.constant 0 : index
      %swap3A_41 = vector.load %arg9[%swap3A_39, %swap3A_40] : memref<8x128xf32, #tpu.memory_space<vmem>>, vector<1x128xf32>
      %swap3A_42 = vector.shape_cast %swap3A_41 : vector<1x128xf32> to vector<128xf32>
      %swap3A_43 = vector.shape_cast %add3A_38 : vector<128xf32> to vector<1x128xf32>
      tpu.vector_store %arg9[%swap3A_39, %swap3A_40], %swap3A_43 {strides = array<i32>} : memref<8x128xf32, #tpu.memory_space<vmem>>, vector<1x128xf32>,
      %get3A_44 = arith.constant 1 : index
      %get3A_45 = arith.constant 0 : index
      %get3A_46 = vector.load %arg9[%get3A_44, %get3A_45] : memref<8x128xf32, #tpu.memory_space<vmem>>, vector<1x128xf32>
      %get3A_47 = vector.shape_cast %get3A_46 : vector<1x128xf32> to vector<128xf32>
      %mul3A = arith.mulf %add3A_22, %add3A_22 : vector<1000x128xf32>
      %reduce_sum3A_48 = arith.constant dense<0.000000e+00> : vector<128xf32>
      %reduce_sum3A_49 = vector.multi_reduction <add>, %mul3A, %reduce_sum3A_48 [0] : vector<1000x128xf32> to vector<128xf32>
      %add3A_50 = arith.addf %get3A_47, %reduce_sum3A_49 : vector<128xf32>
      %swap3A_51 = arith.constant 1 : index
      %swap3A_52 = arith.constant 0 : index
      %swap3A_53 = vector.load %arg9[%swap3A_51, %swap3A_52] : memref<8x128xf32, #tpu.memory_space<vmem>>, vector<1x128xf32>
      %swap3A_54 = vector.shape_cast %swap3A_53 : vector<1x128xf32> to vector<128xf32>
      %swap3A_55 = vector.shape_cast %add3A_50 : vector<128xf32> to vector<1x128xf32>
      tpu.vector_store %arg9[%swap3A_51, %swap3A_52], %swap3A_55 {strides = array<i32>} : memref<8x128xf32, #tpu.memory_space<vmem>>, vector<1x128xf32>,
    } else {
    }
    %eq3A_2 = arith.constant 1 : i32
    %eq3A_3 = arith.cmpi eq, %arg0, %eq3A_2 : i32
    %convert_element_type3A_4 = arith.extui %eq3A_3 : i1 to i32
    %cond3A_5 = arith.constant 0 : i32
    %cond3A_6 = arith.cmpi ne, %convert_element_type3A_4, %cond3A_5 : i32
    scf.if %cond3A_6 {
      %get3A = arith.constant 0 : index
      %get3A_7 = arith.constant 0 : index
      %get3A_8 = vector.load %arg9[%get3A, %get3A_7] : memref<8x128xf32, #tpu.memory_space<vmem>>, vector<1x128xf32>
      %mul3A = arith.constant 9.99999974E-5 : f32
      %mul3A_9 = vector.broadcast %mul3A : f32 to vector<1x128xf32>
      %mul3A_10 = arith.mulf %get3A_8, %mul3A_9 : vector<1x128xf32>
      %get3A_11 = arith.constant 1 : index
      %get3A_12 = arith.constant 0 : index
      %get3A_13 = vector.load %arg9[%get3A_11, %get3A_12] : memref<8x128xf32, #tpu.memory_space<vmem>>, vector<1x128xf32>
      %mul3A_14 = arith.constant 9.99999974E-5 : f32
      %mul3A_15 = vector.broadcast %mul3A_14 : f32 to vector<1x128xf32>
      %mul3A_16 = arith.mulf %get3A_13, %mul3A_15 : vector<1x128xf32>
      %mul3A_17 = arith.mulf %mul3A_10, %mul3A_10 : vector<1x128xf32>
      %sub3A = arith.subf %mul3A_16, %mul3A_17 : vector<1x128xf32>
      %add3A = arith.constant 9.99999974E-6 : f32
      %add3A_18 = vector.broadcast %add3A : f32 to vector<1x128xf32>
      %add3A_19 = arith.addf %sub3A, %add3A_18 : vector<1x128xf32>
      %rsqrt3A = math.rsqrt %add3A_19 : vector<1x128xf32>
      %get3A_20 = arith.constant 0 : index
      %get3A_21 = arith.constant 0 : index
      %get3A_22 = vector.load %arg5[%get3A_20, %get3A_21] : memref<1x128xf32, #tpu.memory_space<vmem>>, vector<1x128xf32>
      %mul3A_23 = arith.mulf %rsqrt3A, %get3A_22 : vector<1x128xf32>
      %get3A_24 = arith.index_cast %arg1 : i32 to index
      %get3A_25 = arith.constant 0 : index
      %get3A_26 = arith.constant 0 : index
      %get3A_27 = vector.load %arg8[%get3A_24, %get3A_25, %get3A_26] : memref<10x1000x128xf32, #tpu.memory_space<vmem>>, vector<1x1000x128xf32>
      %get3A_28 = vector.shape_cast %get3A_27 : vector<1x1000x128xf32> to vector<1000x128xf32>
      %sub3A_29 = vector.broadcast %mul3A_10 : vector<1x128xf32> to vector<1000x128xf32>
      %sub3A_30 = arith.subf %get3A_28, %sub3A_29 : vector<1000x128xf32>
      %mul3A_31 = vector.broadcast %mul3A_23 : vector<1x128xf32> to vector<1000x128xf32>
      %mul3A_32 = arith.mulf %sub3A_30, %mul3A_31 : vector<1000x128xf32>
      %get3A_33 = arith.constant 0 : index
      %get3A_34 = arith.constant 0 : index
      %get3A_35 = vector.load %arg6[%get3A_33, %get3A_34] : memref<1x128xf32, #tpu.memory_space<vmem>>, vector<1x128xf32>
      %add3A_36 = vector.broadcast %get3A_35 : vector<1x128xf32> to vector<1000x128xf32>
      %add3A_37 = arith.addf %mul3A_32, %add3A_36 : vector<1000x128xf32>
      %swap3A = arith.constant 0 : index
      %swap3A_38 = arith.constant 0 : index
      %swap3A_39 = vector.load %arg7[%swap3A, %swap3A_38] : memref<1000x128xf32, #tpu.memory_space<vmem>>, vector<1000x128xf32>
      tpu.vector_store %arg7[%swap3A, %swap3A_38], %add3A_37 {strides = array<i32>} : memref<1000x128xf32, #tpu.memory_space<vmem>>, vector<1000x128xf32>,
    } else {
    }
    return
  }
  func.func @transform_0(%arg0: i32, %arg1: i32) -> (i32, i32, i32) {
    %eq3A = arith.constant 0 : i32
    %eq3A_0 = arith.cmpi eq, %arg0, %eq3A : i32
    %jit3A = arith.constant 0 : i32
    %select_n3A = arith.select %eq3A_0, %arg1, %jit3A : i32
    %c0_i32 = arith.constant 0 : i32
    %c0_i32_1 = arith.constant 0 : i32
    %c0_i32_2 = arith.constant 0 : i32
    return %c0_i32, %select_n3A, %c0_i32_1 : i32, i32, i32
  }
  func.func @transform_1(%arg0: i32, %arg1: i32) -> (i32, i32, i32) {
    %eq3A = arith.constant 0 : i32
    %eq3A_0 = arith.cmpi eq, %arg0, %eq3A : i32
    %jit3A = arith.constant 0 : i32
    %select_n3A = arith.select %eq3A_0, %arg1, %jit3A : i32
    %c1_i32 = arith.constant 1 : i32
    %c0_i32 = arith.constant 0 : i32
    %c0_i32_1 = arith.constant 0 : i32
    return %c1_i32, %select_n3A, %c0_i32 : i32, i32, i32
  }
  func.func @transform_2(%arg0: i32, %arg1: i32) -> (i32, i32) {
    %c0_i32 = arith.constant 0 : i32
    %c0_i32_0 = arith.constant 0 : i32
    %c0_i32_1 = arith.constant 0 : i32
    return %c0_i32, %c0_i32_0 : i32, i32
  }
  func.func @transform_3(%arg0: i32, %arg1: i32) -> (i32, i32) {
    %c0_i32 = arith.constant 0 : i32
    %c0_i32_0 = arith.constant 0 : i32
    %c0_i32_1 = arith.constant 0 : i32
    return %c0_i32, %c0_i32_0 : i32, i32
  }
  func.func @transform_4(%arg0: i32, %arg1: i32) -> (i32, i32) {
    %c0_i32 = arith.constant 0 : i32
    %c0_i32_0 = arith.constant 0 : i32
    %c0_i32_1 = arith.constant 0 : i32
    return %c0_i32, %c0_i32_0 : i32, i32
  }
  func.func @transform_5(%arg0: i32, %arg1: i32) -> (i32, i32) {
    %eq3A = arith.constant 0 : i32
    %eq3A_0 = arith.cmpi eq, %arg0, %eq3A : i32
    %jit3A = arith.constant 0 : i32
    %select_n3A = arith.select %eq3A_0, %jit3A, %arg1 : i32
    %c0_i32 = arith.constant 0 : i32
    %c0_i32_1 = arith.constant 0 : i32
    return %select_n3A, %c0_i32 : i32, i32
  }
}

</mosaic_0001>

<sc_bundles>
// kernel: kernel.5.cloned.1.call-start
scs
__scs_entry_jumppad:
0x0: {  	(pc) =	sbr.rel $0x88, $3  }
0x1: {  	(tag) =	ssettag $0x0;
	lr =	simm.s32 $0x1  }
0x2: {  	[smem:$0x3F9B] =	sst lr;
	_ =	strace $0xD0000000  }
0x3: {  	_ = 	snop  }
0x4: {  	_ = 	snop  }
0x5: {  	_ = 	snop  }
0x6: {  	_ = 	snop  }
0x7: {  	_ = 	snop  }
__scs_overlays_trampoline_lowered:
0x8: {  	[smem:$0x3FAA] =	sst s0  }
0x9: {  	[smem:$0x3FAB] =	sst s1  }
0xa: {  	[smem:$0x3FAC] =	sst s2  }
0xb: {  	[smem:$0x3FAD] =	sst s3  }
0xc: {  	[smem:$0x3FAE] =	sst s4  }
0xd: {  	[smem:$0x3FAF] =	sst s5  }
0xe: {  	[smem:$0x3FB0] =	sst s6  }
0xf: {  	[smem:$0x3FB1] =	sst s7  }
0x10: {  	[smem:$0x3FB2] =	sst s8  }
0x11: {  	[smem:$0x3FB3] =	sst s9;
	s0 =	simm.s32 @!p0 $0x0  }
0x12: {  	s1 =	sld [smem:$0x3F99];
	s0 =	simm.s32 @p0 $0x1  }
0x13: {  	[smem:$0x3FB4] =	sst s0;
	s0 =	simm.s32 @!p1 $0x0  }
0x14: {  	s2 =	sld [smem:$0x3F98];
	s0 =	simm.s32 @p1 $0x1  }
0x15: {  	[smem:$0x3FB5] =	sst s0;
	s0 =	simm.s32 @!p2 $0x0  }
0x16: {  	s3 =	sld [smem:$0x3FDB];
	s0 =	simm.s32 @p2 $0x1  }
0x17: {  	s4 =	simm.s32 $0x1BF5;
	[smem:$0x3FB7] =	sst s0  }
0x18: {  	s0 =	sld [smem:$0x3F9A];
	_ =	swait.ge [sflag:s4], $0x0  }
0x19: {  	s7 =	sld [smem:$0x3F9B]  }
0x1a: {  	s8 =	sadd.s32 $0xFFFFE003, lr  }
0x1b: {  	s9 =	sadd.s32 $0xFFFFFEF7, lr;
	s5 =	simm.s32 $0xFFFFFFFF;
	p2 =	slt.u32 s8, $0xFFFFF086  }
0x1c: {  	p1 =	slt.u32 s9, $0xF7A;
	s5 =	simm.s32 @!p2 $0x0  }
0x1d: {  	s5 =	simm.s32 @p1 $0x1;
	p0 =	seq.s32 s7, s2  }
0x1e: {  	s7 =	smul.u32 @!p0 $0xF7A, s2;
	p2 =	seq.s32 @!p0 s5, $0x0  }
0x1f: {  	s9 =	smul.u32 $0xF7A, s1;
	s8 =	simm.s32 @!p0 $0x1BF5;
	p2 =	por !p2, p0  }
0x20: {  	[sflag:s8] =	ssyncset.s32 @!p0 $0xFFFFF086;
	s6 =	sadd.s32 @!p0 s3, s7;
	s7 =	simm.s32 @!p0 $0x108  }
0x21: {  	s3 =	sadd.s32 s3, s9;
	s6 =	sadd.s32 @!p0 $0x88, s6;
	s7 =	simm.s32 @p2 $0x1082  }
0x22: {  	[simem:s7], [sflag:s8] =	dma.local @!p0 [hbm:s6], $0xF7A  }
0x23: {  	s9 =	sor.u32 $0xD0000000, s2;
	s6 =	simm.s32 $0x108;
	_ =	swait.ge @!p0 [sflag:s8], $0x0  }
0x24: {  	s3 =	sadd.s32 $0x88, s3;
	s6 =	simm.s32 @!p1 $0x1082;
	[sflag:s4] =	ssyncset.s32 $0xFFFFF086  }
0x25: {  	[simem:s6], [sflag:s4] =	dma.local [hbm:s3], $0xF7A  }
0x26: {  	[smem:$0x3F9B] =	sst s1;
	(tag) =	ssettag s2;
	_ =	strace s9  }
0x27: {  	s1 =	sld [smem:$0x3FAB]  }
0x28: {  	s2 =	sld [smem:$0x3FAC]  }
0x29: {  	s4 =	sld [smem:$0x3FAE]  }
0x2a: {  	p0 =	seq.s32 s5, $0x0;
	s5 =	sld [smem:$0x3FAF]  }
0x2b: {  	s6 =	sld [smem:$0x3FB0]  }
0x2c: {  	s7 =	sld [smem:$0x3FB1]  }
0x2d: {  	s3 =	simm.s32 $0x108;
	s8 =	sld [smem:$0x3FB2]  }
0x2e: {  	s3 =	simm.s32 @!p0 $0x1082;
	s9 =	sld [smem:$0x3FB3]  }
0x2f: {  	lr =	sadd.s32 s0, s3;
	s0 =	sld [smem:$0x3FAA]  }
0x30: {  	s3 =	sld [smem:$0x3FAD]  }
0x31: {  	[smem:$0x3FB6] =	sst s10  }
0x32: {  	s10 =	sld [smem:$0x3FB4];
	_ =	sdelay $0x3  }
0x33: {  	p0 =	seq.s32 s10, $0x1;
	s10 =	sld [smem:$0x3FB6];
	_ =	sdelay $0x3  }
0x34: {  	[smem:$0x3FB6] =	sst s10  }
0x35: {  	s10 =	sld [smem:$0x3FB5];
	_ =	sdelay $0x3  }
0x36: {  	p1 =	seq.s32 s10, $0x1;
	s10 =	sld [smem:$0x3FB6];
	_ =	sdelay $0x3  }
0x37: {  	[smem:$0x3FB6] =	sst s10  }
0x38: {  	s10 =	sld [smem:$0x3FB7]  }
0x39: {  	_ = 	snop;
	(pc) =	sbr.ind lr, $3  }
0x3a: {  	_ = 	snop  }
0x3b: {  	_ = 	snop  }
0x3c: {  	p2 =	seq.s32 s10, $0x1;
	s10 =	sld [smem:$0x3FB6]  }
0x3d: {  	_ =	shalt  }
0x3e: {  	_ =	shalt  }
0x3f: {  	_ =	shalt  }
0x40: {  	_ =	shalt  }
0x41: {  	_ =	shalt  }
0x42: {  	_ =	shalt  }
0x43: {  	_ =	shalt  }
0x44: {  	_ =	shalt  }
0x45: {  	_ =	shalt  }
0x46: {  	_ =	shalt  }
0x47: {  	_ =	shalt  }
0x48: {  	_ =	shalt  }
0x49: {  	_ =	shalt  }
0x4a: {  	_ =	shalt  }
0x4b: {  	_ =	shalt  }
0x4c: {  	_ =	shalt  }
0x4d: {  	_ =	shalt  }
0x4e: {  	_ =	shalt  }
0x4f: {  	_ =	shalt  }
0x50: {  	_ =	shalt  }
0x51: {  	_ =	shalt  }
0x52: {  	_ =	shalt  }
0x53: {  	_ =	shalt  }
0x54: {  	_ =	shalt  }
0x55: {  	_ =	shalt  }
0x56: {  	_ =	shalt  }
0x57: {  	_ =	shalt  }
0x58: {  	_ =	shalt  }
0x59: {  	_ =	shalt  }
0x5a: {  	_ =	shalt  }
0x5b: {  	_ =	shalt  }
0x5c: {  	_ =	shalt  }
0x5d: {  	_ =	shalt  }
0x5e: {  	_ =	shalt  }
0x5f: {  	_ =	shalt  }
0x60: {  	_ =	shalt  }
0x61: {  	_ =	shalt  }
0x62: {  	_ =	shalt  }
0x63: {  	_ =	shalt  }
0x64: {  	_ =	shalt  }
0x65: {  	_ =	shalt  }
0x66: {  	_ =	shalt  }
0x67: {  	_ =	shalt  }
0x68: {  	_ =	shalt  }
0x69: {  	_ =	shalt  }
0x6a: {  	_ =	shalt  }
0x6b: {  	_ =	shalt  }
0x6c: {  	_ =	shalt  }
0x6d: {  	_ =	shalt  }
0x6e: {  	_ =	shalt  }
0x6f: {  	_ =	shalt  }
0x70: {  	_ =	shalt  }
0x71: {  	_ =	shalt  }
0x72: {  	_ =	shalt  }
0x73: {  	_ =	shalt  }
0x74: {  	_ =	shalt  }
0x75: {  	_ =	shalt  }
0x76: {  	_ =	shalt  }
0x77: {  	_ =	shalt  }
0x78: {  	_ =	shalt  }
0x79: {  	_ =	shalt  }
0x7a: {  	_ =	shalt  }
0x7b: {  	_ =	shalt  }
0x7c: {  	_ =	shalt  }
0x7d: {  	_ =	shalt  }
0x7e: {  	_ =	shalt  }
0x7f: {  	_ =	shalt  }
0x80: {  	_ =	shalt  }
0x81: {  	_ =	shalt  }
0x82: {  	_ =	shalt  }
0x83: {  	_ =	shalt  }
0x84: {  	_ =	shalt  }
0x85: {  	_ =	shalt  }
0x86: {  	_ =	shalt  }
0x87: {  	_ =	shalt  }
.Lfunc_end0:
.L_simem_size_0:
called_computation_lowered:
.L_overlay_start_0:
0x88: {  	s2 =	sld [smem:$0x3FD9]  }
0x89: {  	s3 =	sld [smem:$0x3FFE];
	_ =	sdelay $0x1  }
0x8a: {  	s1 =	srdreg.scid  }
0x8b: {  	s0 =	sand.u32 $0x1, s1  }
0x8c: {  	s17 =	sshll.u32 s0, $0xA;
	s2 =	sadd.s32 s3, s2  }
0x8d: {  	s2 =	sadd.s32 s2, s17  }
0x8e: {  	[smem:$0x3FC2] =	sst s2  }
0x8f: {  	_ = 	snop  }
0x90: {  	s2 =	sld [smem:$0x3FD0];
	(tm) =	ssettm $0x1  }
0x91: {  	s18 =	sld [smem:$0x3FFB];
	_ =	sdelay $0x3  }
0x92: {  	_ =	strace s18  }
0x93: {  	s3 =	sld [smem:$0x3FFC];
	_ =	sdelay $0x3  }
0x94: {  	_ =	strace s3  }
0x95: {  	s3 =	sld [smem:$0x3FFD];
	_ =	sdelay $0x3  }
0x96: {  	_ =	strace s3  }
0x97: {  	_ =	strace $0x8FFFFFFF  }
0x98: {  	s19 =	sld [smem:$0x3FDB];
	_ =	sdelay $0x1  }
0x99: {  	s4 =	simm.s32 $_scs_section_size  }
0x9a: {  	s5 =	simm.s32 $_size__tile_overlayer_lowered;
	s6 =	simm.s32 $_tile_overlayer_lowered  }
0x9b: {  	s22 =	simm.s32 $0x1BFF;
	s21 =	sshll.u32 s6, $0x1;
	s3 =	sadd.s32 s4, s19  }
0x9c: {  	s7 =	simm.s32 $0x0;
	s20 =	sshll.u32 s5, $0x1;
	s5 =	sadd.s32 s21, s3  }
0x9d: {  	[timem:s7], [sflag:s22] =	dma.local [hbm:s5], s20  }
0x9e: {  	_ =	swait.ge [sflag:s22], s20  }
0x9f: {  	s4 =	ssub.s32 $0x0, s20;
	[sflag:s22] =	ssyncset.done $0x0  }
0xa0: {  	[sflag:s22] =	ssyncadd.s32 s4;
	_ =	sdelay $0x1  }
0xa1: {  	s23 =	simm.s32 $0x1B8B  }
0xa2: {  	_ =	swait.ge [sflag:s23], $0x1  }
0xa3: {  	[sflag:s23] =	ssyncset.done $0x0  }
0xa4: {  	s25 =	simm.s32 $0x1B8E;
	s24 =	sld [smem:$0x3FFE];
	[sflag:s23] =	ssyncadd.s32 $0xFFFFFFFF  }
0xa5: {  	s26 =	simm.s32 $execute0_lowered;
	[smem:$0x3FD2] =	sst s25  }
0xa6: {  	s5 =	sshll.u32 s26, $0x1;
	_ =	strace $0x80000046;
	[dreg:$0x1] =	wrdreg $0xFFFFFFFF  }
0xa7: {  	s28 =	simm.s32 $_size_execute0_lowered;
	s3 =	sadd.s32 s3, s5;
	[dreg:$0x0] =	wrdreg $0x0  }
0xa8: {  	s5 =	sshll.u32 s28, $0x1;
	[dreg:$0x2] =	wrdreg s3  }
0xa9: {  	[dreg:$0x3] =	wrdreg s5  }
0xaa: {  	[dreg:$0x4] =	wrdreg $0xC0  }
0xab: {  	_ =	task [dreg:s7], $0x5FFFF  }
0xac: {  	[dreg:$0x1] =	wrdreg $0xFFFFFFFF  }
0xad: {  	[dreg:$0x0] =	wrdreg $0x60  }
0xae: {  	[dreg:$0x2] =	wrdreg s24  }
0xaf: {  	[dreg:$0x3] =	wrdreg s2  }
0xb0: {  	[dreg:$0x4] =	wrdreg $0x63200  }
0xb1: {  	[dreg:$0x5] =	wrdreg $0x9  }
0xb2: {  	_ =	task.clear_ibuf [dreg:s7], $0x6FFFF;
	_ =	strace $0x90000046  }
0xb3: {  	s29 =	simm.s32 $0x9;
	_ =	strace $0x80000048  }
0xb4: {  	_ =	swait.ge [sflag:s29], $0x1  }
0xb5: {  	[sflag:s29] =	ssyncadd.s32 $0xFFFFFFFF  }
0xb6: {  	_ =	strace $0x90000048  }
0xb7: {  	_ =	sfence  }
0xb8: {  	s30 =	sld [smem:$0x0];
	_ =	sdelay $0x2  }
0xb9: {  	s31 =	sshll.u32 s1, $0xD;
	s1 =	sshrl.u32 s1, $0x2  }
0xba: {  	s3 =	sand.u32 $0x4000, s31;
	s1 =	sadd.s32 s1, s30  }
0xbb: {  	s0 =	sor.u32 s3, s0;
	s1 =	sshll.u32 s1, $0x11  }
0xbc: {  	s0 =	sor.u32 s1, s0  }
0xbd: {  	s0 =	sadd.s32 $0x8F2B, s0  }
0xbe: {  	[sflag:s0] =	ssyncadd.remote.s32 $0x1  }
0xbf: {  	_ =	sfence.sel $0xFFFF  }
0xc0: {  	[dreg:$0x0] =	wrdreg $0xFFFFFFFF;
	(pc) =	sbr.abs _section_cstart, $3  }
0xc1: {  	[dreg:$0x1] =	wrdreg $0xFFFFFFFF  }
0xc2: {  	_ =	task.clear_ibuf [dreg:s7], $0x2FFFF;
	_ =	strace $0x9FFFFFFF  }
0xc3: {  	(tm) =	ssettm $0x7FFFFFFF  }
tec
execute0_lowered:
.L_overlay_start_1:
0x0: {  	(tag) =	ssettag $0x1  }
0x1: {  	s0 =	srdreg.scid;
	s11 =	rddreg [dreg:$0x1];
	s1 =	simm.s32 $0x0  }
0x2: {  	s30 =	stileid.u32;
	s10 =	sand.u32 $0x1, s0;
	[smem:$0x7FF] =	sst s1  }
0x3: {  	s16 =	sor.u32 $0x10, s30;
	s0 =	ssub.s32 $0x2, s10;
	s12 =	smul.u32 $0x138800, s10  }
0x4: {  	s17 =	sor.u32 $0x20, s30;
	s3 =	smul.u32 $0x2800, s16;
	s2 =	sshrl.u32 s0, $0x1  }
0x5: {  	s18 =	sor.u32 $0x30, s30;
	s0 =	ssub.s32 s0, s2;
	s2 =	smul.u32 $0x2800, s30  }
0x6: {  	s19 =	sor.u32 $0x40, s30;
	s20 =	sor.u32 $0x50, s30;
	s6 =	sadd.s32 s12, s3  }
0x7: {  	s21 =	sor.u32 $0x60, s30;
	s6 =	sshrl.u32 s6, $0x4;
	s4 =	sadd.s32 s2, s12  }
0x8: {  	s6 =	sadd.s32 s11, s6;
	s5 =	sshrl.u32 s4, $0x4;
	s4 =	smul.u32 $0x2800, s17  }
0x9: {  	s9 =	sor.u32 $0x70, s30;
	[dreg:$0x5] =	wrdreg s6;
	s6 =	smul.u32 $0x2800, s19  }
0xa: {  	p0 =	sgt.u32 s30, $0xC;
	s3 =	sshrl.u32 s3, $0x1;
	s17 =	smul.u32 $0x5000, s17  }
0xb: {  	s0 =	smax.u32 s0, $0x1;
	s19 =	smul.u32 $0x5000, s19;
	s5 =	sadd.s32 s11, s5  }
0xc: {  	s2 =	sshrl.u32 s2, $0x1;
	[dreg:$0x4] =	wrdreg s5;
	s5 =	smul.u32 $0x2800, s18  }
0xd: {  	s7 =	sadd.s32 s12, s4;
	s15 =	sadd.s32 s12, s6;
	s18 =	smul.u32 $0x5000, s18  }
0xe: {  	s17 =	sshrl.u32 s17, $0x2;
	s13 =	sshrl.u32 s7, $0x4;
	s7 =	smul.u32 $0x2800, s20  }
0xf: {  	s19 =	sshrl.u32 s19, $0x2;
	s25 =	sshrl.u32 s15, $0x4;
	s15 =	smul.u32 $0x2800, s9  }
0x10: {  	s4 =	sshrl.u32 s4, $0x1;
	s6 =	sshrl.u32 s6, $0x1;
	s20 =	smul.u32 $0x5000, s20  }
0x11: {  	s9 =	smul.u32 $0x5000, s9;
	s8 =	sadd.s32 s12, s5;
	s13 =	sadd.s32 s11, s13  }
0x12: {  	s18 =	sshrl.u32 s18, $0x2;
	s14 =	sshrl.u32 s8, $0x4;
	s8 =	smul.u32 $0x2800, s21  }
0x13: {  	[dreg:$0x6] =	wrdreg s13;
	s13 =	sadd.s32 s11, s25;
	s25 =	smul.u32 $0x27100, s10  }
0x14: {  	s5 =	sshrl.u32 s5, $0x1;
	s26 =	sadd.s32 s12, s7;
	s21 =	smul.u32 $0x5000, s21  }
0x15: {  	s20 =	sshrl.u32 s20, $0x2;
	s9 =	sshrl.u32 s9, $0x2;
	[dreg:$0x8] =	wrdreg s13  }
0x16: {  	s24 =	sadd.s32 s11, s14;
	s14 =	sshrl.u32 s26, $0x4;
	s26 =	rddreg [dreg:$0x0]  }
0x17: {  	s7 =	sshrl.u32 s7, $0x1;
	[dreg:$0x7] =	wrdreg s24;
	s22 =	sadd.s32 s12, s8  }
0x18: {  	s13 =	sadd.s32 s11, s14;
	s12 =	sadd.s32 s12, s15;
	s24 =	sshll.u32 s10, $0x4  }
0x19: {  	s10 =	rddreg [dreg:$0x2];
	s14 =	sadd.s32 $0x1000, s26;
	s21 =	sshrl.u32 s21, $0x2  }
0x1a: {  	s8 =	sshrl.u32 s8, $0x1;
	s15 =	sshrl.u32 s15, $0x1;
	s22 =	sshrl.u32 s22, $0x4  }
0x1b: {  	[dreg:$0x9] =	wrdreg s13;
	s12 =	sshrl.u32 s12, $0x4;
	s24 =	sor.u32 s30, s24  }
0x1c: {  	s13 =	sadd.s32 $0x14E00, s26;
	s17 =	sadd.s32 s17, s10;
	s28 =	sadd.s32 s20, s10  }
0x1d: {  	s29 =	sadd.s32 s21, s10;
	s9 =	sadd.s32 s9, s10;
	s23 =	sadd.s32 s11, s22  }
0x1e: {  	s2 =	sadd.s32 s2, s10;
	s11 =	sadd.s32 s11, s12;
	[dreg:$0xa] =	wrdreg s23  }
0x1f: {  	s3 =	sadd.s32 s3, s10;
	s4 =	sadd.s32 s4, s10;
	[dreg:$0xb] =	wrdreg s11  }
0x20: {  	s17 =	sshrl.u32 s17, $0x3;
	_ =	strace $0x80000047;
	[dreg:$0xd] =	wrdreg s0  }
0x21: {  	s5 =	sadd.s32 s5, s10;
	s2 =	sshrl.u32 s2, $0x3;
	[dreg:$0x11] =	wrdreg s17  }
0x22: {  	s6 =	sadd.s32 s6, s10;
	s3 =	sshrl.u32 s3, $0x3;
	[dreg:$0x17] =	wrdreg s2  }
0x23: {  	s7 =	sadd.s32 s7, s10;
	s4 =	sshrl.u32 s4, $0x3;
	[dreg:$0x18] =	wrdreg s3  }
0x24: {  	s8 =	sadd.s32 s8, s10;
	s5 =	sshrl.u32 s5, $0x3;
	[dreg:$0x19] =	wrdreg s4  }
0x25: {  	s15 =	sadd.s32 s15, s10;
	s6 =	sshrl.u32 s6, $0x3;
	[dreg:$0x1a] =	wrdreg s5  }
0x26: {  	s12 =	sadd.s32 $0x1400, s26;
	s7 =	sshrl.u32 s7, $0x3;
	[dreg:$0x1b] =	wrdreg s6  }
0x27: {  	s23 =	smul.u32 $0x2710, s30;
	s0 =	sshrl.u32 @!p0 s9, $0x3;
	[dreg:$0x1c] =	wrdreg s7  }
0x28: {  	s9 =	sshrl.u32 s8, $0x3;
	s2 =	simm.s32 $0x1;
	s3 =	simm.s32 $0x320  }
0x29: {  	s4 =	simm.s32 $0x2;
	s5 =	simm.s32 $0x2320;
	s6 =	simm.s32 $0x3  }
0x2a: {  	s7 =	simm.s32 $0x4320;
	s11 =	sadd.s32 s23, s25;
	s25 =	smul.u32 $0x2710, s24  }
0x2b: {  	s8 =	simm.s32 $0x4;
	s24 =	smul.u32 $0x5000, s30;
	[dreg:$0x16] =	wrdreg s0  }
0x2c: {  	s23 =	smul.u32 $0x5000, s16;
	[dreg:$0x1d] =	wrdreg s9;
	s0 =	sshrl.u32 @!p0 s15, $0x3  }
0x2d: {  	s9 =	simm.s32 $0x280;
	s20 =	sadd.s32 $0x4E480, s11;
	[dreg:$0x1e] =	wrdreg s0  }
0x2e: {  	s0 =	simm.s32 $0x7;
	s26 =	sshrl.u32 s25, $0x3;
	s25 =	sshrl.u32 s24, $0x2  }
0x2f: {  	s23 =	sshrl.u32 s23, $0x2;
	s21 =	sshrl.u32 s20, $0x3;
	s31 =	sadd.s32 s13, s26  }
0x30: {  	s22 =	sadd.s32 s25, s10;
	s26 =	sshll.u32 s30, $0x6;
	s24 =	sadd.s32 s23, s10  }
0x31: {  	s25 =	sadd.s32 s18, s10;
	s23 =	sadd.s32 $0x280, s11;
	s30 =	simm.s32 $0x200  }
0x32: {  	s16 =	sor.u32 $0x1C07, s26;
	s26 =	sadd.s32 s19, s10;
	s19 =	sshrl.u32 s23, $0x3  }
0x33: {  	s23 =	sadd.s32 $0x200, s11;
	s22 =	sshrl.u32 s22, $0x3;
	s15 =	sadd.s32 $0x10, s31  }
0x34: {  	s17 =	sadd.s32 $0x9C50, s31;
	[dreg:$0xc] =	wrdreg s31;
	s18 =	sadd.s32 s19, s13  }
0x35: {  	s19 =	sadd.s32 s21, s13;
	s21 =	sshrl.u32 s23, $0x3;
	[dreg:$0xf] =	wrdreg s22  }
0x36: {  	s23 =	sadd.s32 $0x4E400, s11;
	s22 =	sshrl.u32 s25, $0x3;
	[smem:$0x7F8] =	sst s15  }
0x37: {  	s25 =	sshrl.u32 s28, $0x3;
	[smem:$0x7F9] =	sst s17;
	s28 =	simm.s32 $0x180  }
0x38: {  	s20 =	sadd.s32 s21, s13;
	s21 =	sshrl.u32 s23, $0x3;
	[dreg:$0x12] =	wrdreg s22  }
0x39: {  	s23 =	sadd.s32 $0x4E380, s11;
	s11 =	sadd.s32 $0x180, s11;
	[dreg:$0x14] =	wrdreg s25  }
0x3a: {  	s17 =	simm.s32 $0x6;
	s22 =	sadd.s32 $0x20, s31;
	[dreg:$0xe] =	wrdreg s11  }
0x3b: {  	s25 =	sadd.s32 $0x4E0, s31;
	s11 =	sshrl.u32 s23, $0x3;
	[smem:$0x7FA] =	sst s22  }
0x3c: {  	[smem:$0x7FC] =	sst s25;
	s23 =	sadd.s32 s11, s13;
	s11 =	sshrl.u32 s24, $0x3  }
0x3d: {  	s21 =	sadd.s32 s21, s13;
	s24 =	sshrl.u32 s26, $0x3;
	[dreg:$0x10] =	wrdreg s11  }
.Ltmp0:
0x3e: {  	s26 =	sshrl.u32 s29, $0x3;
	[dreg:$0x13] =	wrdreg s24;
	(pc) =	sbr.rel .LBB2_1-.Ltmp0, $4  }
0x3f: {  	s25 =	simm.s32 $0x8;
	[dreg:$0x15] =	wrdreg s26;
	s11 =	sadd.s32 $0x9C40, s31  }
0x40: {  	s29 =	simm.s32 $0x80;
	s24 =	sadd.s32 $0x9C60, s31;
	[dreg:$0x1f] =	wrdreg s11  }
0x41: {  	s26 =	sadd.s32 $0xA120, s31;
	s31 =	simm.s32 $0x100;
	[smem:$0x7FB] =	sst s24  }
0x42: {  	[smem:$0x7FD] =	sst s26;
	s11 =	simm.s32 $0x5;
	s26 =	simm.s32 $0x0  }
.LBB2_4:
0x43: {  	_ =	swait.ge [sflag:s0], $0x2000  }
0x44: {  	[sflag:s0] =	ssyncset.done $0x0  }
0x45: {  	[sflag:s0] =	ssyncadd.s32 $0xFFFFE000  }
0x46: {  	_ =	swait.ge [sflag:s0], $0x2000  }
0x47: {  	s15 =	sld [smem:$0x7FC]  }
0x48: {  	[sflag:s0] =	ssyncset.done $0x0  }
0x49: {  	s22 =	simm.s32 $0x300;
	[sflag:s0] =	ssyncadd.s32 $0xFFFFE000  }
0x4a: {  	[tilespmem:s22], [sflag:$0x1] =	stream.linear.gather [hbm4b:s15+s1], $0x10, $0x38;
	[tilespmem:$0xFF60] =	vst v63  }
0x4b: {  	s15 =	sld [smem:$0x7FD];
	_ =	sdelay $0x1  }
0x4c: {  	s24 =	simm.s32 $0x310  }
0x4d: {  	[tilespmem:s24], [sflag:$0x1] =	stream.linear.gather [hbm4b:s15+s1], $0x10, $0x38;
	[tilespmem:$0xFF60] =	vst v63  }
0x4e: {  	_ =	swait.ge [sflag:s2], $0x10  }
0x4f: {  	[sflag:s2] =	ssyncset.done $0x0  }
0x50: {  	[sflag:s2] =	ssyncadd.s32 $0xFFFFFFF0  }
0x51: {  	_ =	swait.ge [sflag:s2], $0x10  }
0x52: {  	[sflag:s2] =	ssyncset.done $0x0  }
0x53: {  	s15 =	simm.s32 $0x10;
	[sflag:s2] =	ssyncadd.s32 $0xFFFFFFF0  }
0x54: {  	[tilespmem:s3], [sflag:$0x4] =	stream.indirect.gather [hbm4b:s12+s15], $0x40, s22, s15, $0xb8;
	[tilespmem:$0xFF60] =	vst v63  }
0x55: {  	_ =	swait.ge [sflag:s8], $0x400  }
0x56: {  	[sflag:s8] =	ssyncset.done $0x0  }
0x57: {  	[sflag:s8] =	ssyncadd.s32 $0xFFFFFC00  }
0x58: {  	[spmem:s10] =	stream.indirect.scatter.add.bf16 [tilespmem:s3], [sflag:$0x8], $0x40, s24, s15, $0xb8;
	[tilespmem:$0xFF60] =	vst v63  }
0x59: {  	_ =	swait.ge [sflag:s25], $0x400  }
0x5a: {  	[sflag:s25] =	ssyncset.done $0x0  }
0x5b: {  	[sflag:s25] =	ssyncadd.s32 $0xFFFFFC00  }
0x5c: {  	[bflag:$0x0] =	sbarrier.arrive $0xFFFF  }
0x5d: {  	s22 =	rddreg [dreg:$0x4]  }
0x5e: {  	s24 =	rddreg [dreg:$0x17]  }
0x5f: {  	[hbm:s22], [sflag:s16] =	dma.local [spmem:s24], $0x280  }
0x60: {  	s15 =	rddreg [dreg:$0x5]  }
0x61: {  	s22 =	rddreg [dreg:$0x18]  }
0x62: {  	[hbm:s15], [sflag:s16] =	dma.local [spmem:s22], $0x280  }
0x63: {  	s15 =	rddreg [dreg:$0x6]  }
0x64: {  	s22 =	rddreg [dreg:$0x19]  }
0x65: {  	[hbm:s15], [sflag:s16] =	dma.local [spmem:s22], $0x280  }
0x66: {  	s15 =	rddreg [dreg:$0x7]  }
0x67: {  	s22 =	rddreg [dreg:$0x1a]  }
0x68: {  	[hbm:s15], [sflag:s16] =	dma.local [spmem:s22], $0x280  }
0x69: {  	s15 =	rddreg [dreg:$0x8]  }
0x6a: {  	s22 =	rddreg [dreg:$0x1b]  }
0x6b: {  	[hbm:s15], [sflag:s16] =	dma.local [spmem:s22], $0x280  }
0x6c: {  	s15 =	rddreg [dreg:$0x9]  }
0x6d: {  	s22 =	rddreg [dreg:$0x1c]  }
0x6e: {  	[hbm:s15], [sflag:s16] =	dma.local [spmem:s22], $0x280  }
0x6f: {  	s15 =	rddreg [dreg:$0xa]  }
0x70: {  	s22 =	rddreg [dreg:$0x1d]  }
0x71: {  	[hbm:s15], [sflag:s16] =	dma.local [spmem:s22], $0x280  }
0x72: {  	s15 =	rddreg [dreg:$0xb]  }
0x73: {  	s22 =	rddreg [dreg:$0x1e]  }
0x74: {  	[hbm:s15], [sflag:s16] =	dma.local @!p0 [spmem:s22], $0x280  }
0x75: {  	_ =	swait.ge [sflag:s0], $0x280  }
0x76: {  	[sflag:s0] =	ssyncset.done $0x0  }
0x77: {  	[sflag:s0] =	ssyncadd.s32 $0xFFFFFD80  }
0x78: {  	_ =	swait.ge [sflag:s0], $0x280  }
0x79: {  	[sflag:s0] =	ssyncset.done $0x0  }
0x7a: {  	[sflag:s0] =	ssyncadd.s32 $0xFFFFFD80  }
0x7b: {  	_ =	swait.ge [sflag:s0], $0x280  }
0x7c: {  	[sflag:s0] =	ssyncset.done $0x0  }
0x7d: {  	[sflag:s0] =	ssyncadd.s32 $0xFFFFFD80  }
0x7e: {  	_ =	swait.ge [sflag:s0], $0x280  }
0x7f: {  	[sflag:s0] =	ssyncset.done $0x0  }
0x80: {  	[sflag:s0] =	ssyncadd.s32 $0xFFFFFD80  }
0x81: {  	_ =	swait.ge [sflag:s0], $0x280  }
0x82: {  	[sflag:s0] =	ssyncset.done $0x0  }
0x83: {  	[sflag:s0] =	ssyncadd.s32 $0xFFFFFD80  }
0x84: {  	_ =	swait.ge [sflag:s0], $0x280  }
0x85: {  	[sflag:s0] =	ssyncset.done $0x0  }
0x86: {  	[sflag:s0] =	ssyncadd.s32 $0xFFFFFD80  }
0x87: {  	_ =	swait.ge [sflag:s0], $0x280  }
0x88: {  	[sflag:s0] =	ssyncset.done $0x0  }
0x89: {  	s15 =	simm.s32 @!p0 $0x7;
	[sflag:s0] =	ssyncadd.s32 $0xFFFFFD80  }
0x8a: {  	_ =	swait.ge @!p0 [sflag:s15], $0x280  }
0x8b: {  	s26 =	sadd.s32 $0x1, s26;
	s24 =	rddreg [dreg:$0xd]  }
0x8c: {  	p1 =	sne.s32 s26, s24  }
.Ltmp1:
0x8d: {  	_ = 	snop;
	(pc) =	sbr.rel @!p1 .LBB2_5-.Ltmp1, $3  }
0x8e: {  	_ =	sdelay $0x1  }
0x8f: {  	[sflag:s15] =	ssyncset.done @!p0 $0x0  }
0x90: {  	[sflag:s15] =	ssyncadd.s32 @!p0 $0xFFFFFD80  }
.LBB2_1:
0x91: {  	s15 =	rddreg [dreg:$0xc]  }
0x92: {  	s22 =	rddreg [dreg:$0x1f]  }
0x93: {  	[tilespmem:s1], [sflag:$0x1] =	stream.linear.gather [hbm4b:s15+s1], $0x80, $0x38;
	[tilespmem:$0xFF60] =	vst v63  }
0x94: {  	s24 =	sld [smem:$0x7F8]  }
0x95: {  	[tilespmem:s28], [sflag:$0x1] =	stream.linear.gather [hbm4b:s22+s1], $0x80, $0x38;
	[tilespmem:$0xFF60] =	vst v63  }
0x96: {  	s22 =	sld [smem:$0x7F9]  }
0x97: {  	[tilespmem:s29], [sflag:$0x2] =	stream.linear.gather [hbm4b:s24+s1], $0x80, $0x38;
	[tilespmem:$0xFF60] =	vst v63  }
0x98: {  	s24 =	sld [smem:$0x7FA]  }
0x99: {  	[tilespmem:s30], [sflag:$0x2] =	stream.linear.gather [hbm4b:s22+s1], $0x80, $0x38;
	[tilespmem:$0xFF60] =	vst v63  }
0x9a: {  	s22 =	sld [smem:$0x7FB]  }
0x9b: {  	[tilespmem:s31], [sflag:$0x3] =	stream.linear.gather [hbm4b:s24+s1], $0x80, $0x38;
	[tilespmem:$0xFF60] =	vst v63  }
0x9c: {  	s24 =	rddreg [dreg:$0xf]  }
0x9d: {  	[tilespmem:s9], [sflag:$0x3] =	stream.linear.gather [hbm4b:s22+s1], $0x80, $0x38;
	[tilespmem:$0xFF60] =	vst v63  }
0x9e: {  	[spmem:s24], [sflag:s16] =	dma.local [hbm:s14], $0x280  }
0x9f: {  	s15 =	rddreg [dreg:$0x10]  }
0xa0: {  	[spmem:s15], [sflag:s16] =	dma.local [hbm:s14], $0x280  }
0xa1: {  	s15 =	rddreg [dreg:$0x11]  }
0xa2: {  	[spmem:s15], [sflag:s16] =	dma.local [hbm:s14], $0x280  }
0xa3: {  	s15 =	rddreg [dreg:$0x12]  }
0xa4: {  	[spmem:s15], [sflag:s16] =	dma.local [hbm:s14], $0x280  }
0xa5: {  	s15 =	rddreg [dreg:$0x13]  }
0xa6: {  	[spmem:s15], [sflag:s16] =	dma.local [hbm:s14], $0x280  }
0xa7: {  	s15 =	rddreg [dreg:$0x14]  }
0xa8: {  	[spmem:s15], [sflag:s16] =	dma.local [hbm:s14], $0x280  }
0xa9: {  	s15 =	rddreg [dreg:$0x15]  }
0xaa: {  	[spmem:s15], [sflag:s16] =	dma.local [hbm:s14], $0x280  }
0xab: {  	s15 =	rddreg [dreg:$0x16]  }
0xac: {  	[spmem:s15], [sflag:s16] =	dma.local @!p0 [hbm:s14], $0x280  }
0xad: {  	_ =	swait.ge [sflag:s0], $0x280  }
0xae: {  	[sflag:s0] =	ssyncset.done $0x0  }
0xaf: {  	[sflag:s0] =	ssyncadd.s32 $0xFFFFFD80  }
0xb0: {  	_ =	swait.ge [sflag:s0], $0x280  }
0xb1: {  	[sflag:s0] =	ssyncset.done $0x0  }
0xb2: {  	[sflag:s0] =	ssyncadd.s32 $0xFFFFFD80  }
0xb3: {  	_ =	swait.ge [sflag:s0], $0x280  }
0xb4: {  	[sflag:s0] =	ssyncset.done $0x0  }
0xb5: {  	[sflag:s0] =	ssyncadd.s32 $0xFFFFFD80  }
0xb6: {  	_ =	swait.ge [sflag:s0], $0x280  }
0xb7: {  	[sflag:s0] =	ssyncset.done $0x0  }
0xb8: {  	[sflag:s0] =	ssyncadd.s32 $0xFFFFFD80  }
0xb9: {  	_ =	swait.ge [sflag:s0], $0x280  }
0xba: {  	[sflag:s0] =	ssyncset.done $0x0  }
0xbb: {  	[sflag:s0] =	ssyncadd.s32 $0xFFFFFD80  }
0xbc: {  	_ =	swait.ge [sflag:s0], $0x280  }
0xbd: {  	[sflag:s0] =	ssyncset.done $0x0  }
0xbe: {  	[sflag:s0] =	ssyncadd.s32 $0xFFFFFD80  }
0xbf: {  	_ =	swait.ge [sflag:s0], $0x280  }
0xc0: {  	[sflag:s0] =	ssyncset.done $0x0  }
0xc1: {  	s15 =	simm.s32 @!p0 $0x7;
	[sflag:s0] =	ssyncadd.s32 $0xFFFFFD80  }
0xc2: {  	_ =	swait.ge @!p0 [sflag:s15], $0x280  }
0xc3: {  	[sflag:s15] =	ssyncset.done @!p0 $0x0  }
0xc4: {  	[sflag:s15] =	ssyncadd.s32 @!p0 $0xFFFFFD80  }
0xc5: {  	[bflag:$0x0] =	sbarrier.arrive $0xFFFF  }
0xc6: {  	s22 =	simm.s32 $0x0;
	s15 =	rddreg [dreg:$0xe]  }
.LBB2_2:
0xc7: {  	_ =	swait.ge [sflag:s2], $0x80  }
0xc8: {  	[sflag:s2] =	ssyncset.done $0x0  }
0xc9: {  	[sflag:s2] =	ssyncadd.s32 $0xFFFFFF80  }
0xca: {  	_ =	swait.ge [sflag:s2], $0x80  }
0xcb: {  	[sflag:s2] =	ssyncset.done $0x0  }
0xcc: {  	[sflag:s2] =	ssyncadd.s32 $0xFFFFFF80  }
0xcd: {  	[tilespmem:s3], [sflag:$0x4] =	stream.indirect.gather [hbm4b:s12+s29], $0x40, s1, s29, $0xb8;
	[tilespmem:$0xFF60] =	vst v63  }
0xce: {  	_ =	swait.ge [sflag:s4], $0x80  }
0xcf: {  	[sflag:s4] =	ssyncset.done $0x0  }
0xd0: {  	[sflag:s4] =	ssyncadd.s32 $0xFFFFFF80  }
0xd1: {  	_ =	swait.ge [sflag:s4], $0x80  }
0xd2: {  	[sflag:s4] =	ssyncset.done $0x0  }
0xd3: {  	[sflag:s4] =	ssyncadd.s32 $0xFFFFFF80  }
0xd4: {  	[tilespmem:s5], [sflag:$0x5] =	stream.indirect.gather [hbm4b:s12+s29], $0x40, s29, s29, $0xb8;
	[tilespmem:$0xFF60] =	vst v63  }
0xd5: {  	_ =	swait.ge [sflag:s6], $0x80  }
0xd6: {  	[sflag:s6] =	ssyncset.done $0x0  }
0xd7: {  	[sflag:s6] =	ssyncadd.s32 $0xFFFFFF80  }
0xd8: {  	_ =	swait.ge [sflag:s6], $0x80  }
0xd9: {  	[sflag:s6] =	ssyncset.done $0x0  }
0xda: {  	[sflag:s6] =	ssyncadd.s32 $0xFFFFFF80  }
0xdb: {  	[tilespmem:s7], [sflag:$0x6] =	stream.indirect.gather [hbm4b:s12+s29], $0x40, s31, s29, $0xb8;
	[tilespmem:$0xFF60] =	vst v63  }
0xdc: {  	_ =	swait.ge [sflag:s8], $0x2000  }
0xdd: {  	[sflag:s8] =	ssyncset.done $0x0  }
0xde: {  	[sflag:s8] =	ssyncadd.s32 $0xFFFFE000  }
0xdf: {  	[spmem:s10] =	stream.indirect.scatter.add.bf16 [tilespmem:s3], [sflag:$0x7], $0x40, s28, s29, $0xb8;
	[tilespmem:$0xFF60] =	vst v63  }
0xe0: {  	_ =	swait.ge [sflag:s11], $0x2000  }
0xe1: {  	[sflag:s11] =	ssyncset.done $0x0  }
0xe2: {  	[sflag:s11] =	ssyncadd.s32 $0xFFFFE000  }
0xe3: {  	[spmem:s10] =	stream.indirect.scatter.add.bf16 [tilespmem:s5], [sflag:$0x7], $0x40, s30, s29, $0xb8;
	[tilespmem:$0xFF60] =	vst v63  }
0xe4: {  	_ =	swait.ge [sflag:s17], $0x2000  }
0xe5: {  	p1 =	seq.s32 s22, $0x4B0;
	[sflag:s17] =	ssyncset.done $0x0  }
.Ltmp2:
0xe6: {  	[sflag:s17] =	ssyncadd.s32 $0xFFFFE000;
	(pc) =	sbr.rel @p1 .LBB2_4-.Ltmp2, $4  }
0xe7: {  	[spmem:s10] =	stream.indirect.scatter.add.bf16 [tilespmem:s7], [sflag:$0x7], $0x40, s9, s29, $0xb8;
	[tilespmem:$0xFF60] =	vst v63  }
0xe8: {  	_ =	swait.ge [sflag:s0], $0x2000  }
0xe9: {  	[sflag:s0] =	ssyncset.done $0x0  }
0xea: {  	[sflag:s0] =	ssyncadd.s32 $0xFFFFE000  }
0xeb: {  	s24 =	sshrl.u32 s15, $0x3  }
0xec: {  	s24 =	sadd.s32 s13, s24  }
0xed: {  	[tilespmem:s1], [sflag:$0x1] =	stream.linear.gather [hbm4b:s24+s1], $0x80, $0x38;
	[tilespmem:$0xFF60] =	vst v63  }
0xee: {  	s24 =	sadd.s32 s22, s23  }
0xef: {  	[tilespmem:s28], [sflag:$0x1] =	stream.linear.gather [hbm4b:s24+s1], $0x80, $0x38;
	[tilespmem:$0xFF60] =	vst v63  }
0xf0: {  	_ =	swait.ge [sflag:s0], $0x2000  }
0xf1: {  	[sflag:s0] =	ssyncset.done $0x0  }
0xf2: {  	s24 =	sadd.s32 s22, s20;
	[sflag:s0] =	ssyncadd.s32 $0xFFFFE000  }
0xf3: {  	[tilespmem:s29], [sflag:$0x2] =	stream.linear.gather [hbm4b:s24+s1], $0x80, $0x38;
	[tilespmem:$0xFF60] =	vst v63  }
0xf4: {  	s24 =	sadd.s32 s22, s21  }
0xf5: {  	[tilespmem:s30], [sflag:$0x2] =	stream.linear.gather [hbm4b:s24+s1], $0x80, $0x38;
	[tilespmem:$0xFF60] =	vst v63  }
0xf6: {  	_ =	swait.ge [sflag:s0], $0x2000  }
.Ltmp3:
0xf7: {  	[sflag:s0] =	ssyncset.done $0x0;
	(pc) =	sbr.rel .LBB2_2-.Ltmp3, $4  }
0xf8: {  	s24 =	sadd.s32 s22, s18;
	[sflag:s0] =	ssyncadd.s32 $0xFFFFE000  }
0xf9: {  	[tilespmem:s31], [sflag:$0x3] =	stream.linear.gather [hbm4b:s24+s1], $0x80, $0x38;
	[tilespmem:$0xFF60] =	vst v63  }
0xfa: {  	s15 =	sadd.s32 $0x180, s15;
	s24 =	sadd.s32 s22, s19;
	s22 =	sadd.s32 $0x30, s22  }
0xfb: {  	[tilespmem:s9], [sflag:$0x3] =	stream.linear.gather [hbm4b:s24+s1], $0x80, $0x38;
	[tilespmem:$0xFF60] =	vst v63  }
.LBB2_5:
0xfc: {  	_ =	sfence.sel $0x180000  }
0xfd: {  	[bflag:$0x0] =	sbarrier.arrive $0xFFFF  }
0xfe: {  	_ =	strace $0x90000047  }
0xff: {  	s0 =	stileid.u32;
	[bflag:$0x2] =	sbarrier.arrive $0xFFFF  }
0x100: {  	p0 =	sne.s32 s0, $0x0;
	s0 =	rddreg [dreg:$0x3]  }
0x101: {  	s0 =	sadd.s32 @!p0 $0x100000, s0  }
0x102: {  	[sflag:s0] =	ssyncadd.tile.s32 @!p0 $0x1;
	_ =	shalt  }
.Lfunc_end2:
_tile_overlayer_lowered:
.L_overlay_start_2:
0x103: {  	(tag) =	ssettag $0x2  }
0x104: {  	s0 =	rddreg [dreg:$0x0];
	s2 =	stileid.u32  }
0x105: {  	s1 =	rddreg [dreg:$0x1];
	p0 =	sne.s32 s2, $0x0  }
0x106: {  	s3 =	rddreg [dreg:$0x2];
	[bflag:$0x3] =	sbarrier.arrive $0xFFFF;
	s2 =	simm.s32 @!p0 $0x1C08  }
0x107: {  	[timem:s3], [sflag:s2] =	dma.local @!p0 [hbm:s0], s1  }
0x108: {  	s0 =	simm.s32 @!p0 $0x8  }
0x109: {  	_ =	swait.ge @!p0 [sflag:s0], s1  }
0x10a: {  	s1 =	ssub.s32 @!p0 $0x0, s1;
	[sflag:s0] =	ssyncset.done @!p0 $0x0  }
0x10b: {  	[sflag:s0] =	ssyncadd.s32 @!p0 s1  }
0x10c: {  	[bflag:$0x3] =	sbarrier.arrive $0xFFFF  }
0x10d: {  	_ =	shalt  }

</sc_bundles>
